<compile_context>
chip_gen: v7x
topology: tpu7x:2x2x1
jax: 0.10.2.dev20260603
libtpu: 0.0.44.dev20260713+nightly
codegen_flags: <defaults>
</compile_context>

<pallas_src>
import functools

import jax
import jax.numpy as jnp
from jax import lax
from jax.experimental import pallas as pl
from jax.experimental.pallas import tpu as pltpu
from jax.experimental.pallas import tpu_sc as plsc

B, P, D = 64, 8192, 128
K = 64
R, C = 64, 128
NEG_INF = float("-inf")
POS_INF = float("inf")


def _allreduce_rows(x, op):
    x = op(x[0:32], x[32:64])
    x = op(x[0:16], x[16:32])
    x = op(x[0:8], x[8:16])
    x = op(x, pltpu.roll(x, 4, 0))
    x = op(x, pltpu.roll(x, 2, 0))
    x = op(x, pltpu.roll(x, 1, 0))
    return x[0:1]


def _allreduce_lanes(x, op):
    for sh in (64, 32, 16, 8, 4, 2, 1):
        x = op(x, pltpu.roll(x, sh, 1))
    return x


def _dotH(a, b, dims):
    return lax.dot_general(a, b, (dims, ((), ())),
                           precision=lax.Precision.HIGHEST,
                           preferred_element_type=jnp.float32)


def _allreduce_col(x, op):
    n = x.shape[0]
    while n > 8:
        x = op(x[0 : n // 2], x[n // 2 : n])
        n //= 2
    x = op(x, pltpu.roll(x, 4, 0))
    x = op(x, pltpu.roll(x, 2, 0))
    x = op(x, pltpu.roll(x, 1, 0))
    return x[0:1]


def _sim_topk_body(ln_ref, pn_ref, ti_ref, bi_ref):
    l = ln_ref[0]
    ss = jnp.sum(l * l, axis=-1, keepdims=True)
    nrm = jnp.where(ss == 0.0, 0.0, ss * lax.rsqrt(ss)) + 1e-8
    lb = (l * (1.0 / nrm)).astype(jnp.bfloat16)
    pb = pn_ref[0].astype(jnp.bfloat16)
    s = lax.dot_general(pb, lb, (((1,), (1,)), ((), ())),
                        preferred_element_type=jnp.float32)
    sm = s.reshape(R, C)

    f32 = jnp.float32
    lane = lax.broadcasted_iota(jnp.int32, (R, C), 1)
    row = lax.broadcasted_iota(jnp.int32, (R, C), 0)
    flat = row * C + lane
    out_iota = lax.broadcasted_iota(jnp.int32, (1, K), 1)
    out_iota_f = out_iota.astype(f32)
    big = jnp.full((R, C), P, jnp.int32)

    eye = jnp.where(
        lax.broadcasted_iota(jnp.int32, (C, C), 0)
        == lax.broadcasted_iota(jnp.int32, (C, C), 1), 1.0, 0.0).astype(f32)
    lt_ll = jnp.where(
        lax.broadcasted_iota(jnp.int32, (C, C), 0)
        < lax.broadcasted_iota(jnp.int32, (C, C), 1), 1.0, 0.0).astype(f32)
    lt_rr = jnp.where(
        lax.broadcasted_iota(jnp.int32, (R, R), 1)
        < lax.broadcasted_iota(jnp.int32, (R, R), 0), 1.0, 0.0).astype(f32)
    ones_col = jnp.full((C, 1), 1.0, f32)
    idx128 = lax.broadcasted_iota(jnp.int32, (128, 128), 0)
    lane128 = lax.broadcasted_iota(jnp.int32, (128, 128), 1)
    flat_row = lax.broadcasted_iota(jnp.int32, (1, P), 1).astype(f32)
    ones_row = jnp.full((1, P), 1.0, f32)
    slot_iota = lax.broadcasted_iota(jnp.int32, (128, P), 0).astype(f32)

    def fast_select(smx, s_row):
        cm = _allreduce_rows(smx, jnp.maximum)
        cmT = _dotH(eye, cm, ((1,), (1,)))
        b0 = jnp.where((cm > cmT) | ((cm == cmT) & (lane128 < idx128)),
                       1.0, 0.0).astype(f32)
        rank0 = _dotH(b0, ones_col, ((1,), (0,)))
        t0 = _allreduce_col(
            jnp.where(rank0 == (K - 1.0), cmT, NEG_INF), jnp.maximum)
        mask = smx >= t0
        mf = jnp.where(mask, 1.0, 0.0).astype(f32)
        rowcnt = _dotH(mf, ones_col, ((1,), (0,)))
        tot = _allreduce_col(rowcnt, jnp.add)
        lanecum = _dotH(mf, lt_ll, ((1,), (0,)))
        rowoff = _dotH(lt_rr, rowcnt, ((1,), (0,)))
        p = jnp.where(mask, rowoff + lanecum, 300.0)
        pr = p.reshape(1, P)
        mhot = jnp.where(slot_iota == pr, 1.0, 0.0).astype(f32)
        vi3 = jnp.concatenate([s_row, flat_row, ones_row], axis=0)
        cc = _dotH(mhot, vi3, ((1,), (1,)))
        occ = cc[:, 2:3]
        vc = jnp.where(occ > 0.5, cc[:, 0:1], -1.0e9)
        ic = jnp.where(occ > 0.5, cc[:, 1:2], 1.0e9)
        vr = _dotH(vc, eye, ((0,), (0,)))
        ir = _dotH(ic, eye, ((0,), (0,)))
        bp = jnp.where((vr > vc) | ((vr == vc) & (ir < ic)),
                       1.0, 0.0).astype(f32)
        rank = _dotH(bp, ones_col, ((1,), (0,)))
        ohot = jnp.where(rank == out_iota_f, 1.0, 0.0).astype(f32)
        ti_row = _dotH(ir, ohot, ((1,), (0,)))
        return ti_row, tot

    def slow_select(smx):
        def extract(w):
            m = _allreduce_lanes(_allreduce_rows(w, jnp.maximum), jnp.maximum)
            cand = jnp.where(w == m, flat, big)
            pos = _allreduce_lanes(_allreduce_rows(cand, jnp.minimum),
                                   jnp.minimum)
            w = jnp.where(flat == pos, NEG_INF, w)
            return w, pos[:, 0:K]

        def rnd(r, carry):
            w, ti = carry
            w, pos = extract(w)
            ti = jnp.where(out_iota == r, pos, ti)
            return w, ti

        _, ti = lax.fori_loop(0, K, rnd, (smx, jnp.zeros((1, K), jnp.int32)))
        return ti

    ti_f, tot_t = fast_select(sm, s)
    bi_f, tot_b = fast_select(-sm, -s)
    ok = (jnp.max(tot_t) <= 128.0) & (jnp.max(tot_b) <= 128.0)

    @pl.when(ok)
    def _fast_write():
        ti_ref[...] = ti_f.astype(jnp.int32).reshape(1, 1, K)
        bi_ref[...] = bi_f.astype(jnp.int32).reshape(1, 1, K)

    @pl.when(jnp.logical_not(ok))
    def _slow_write():
        ti_ref[...] = slow_select(sm).reshape(1, 1, K)
        bi_ref[...] = slow_select(-sm).reshape(1, 1, K)


def _compute_topk_idx(ln, pn):
    return pl.pallas_call(
        _sim_topk_body,
        grid=(B,),
        in_specs=[
            pl.BlockSpec((1, P, D), lambda b: (b, 0, 0)),
            pl.BlockSpec((1, 1, D), lambda b: (b, 0, 0)),
        ],
        out_specs=[
            pl.BlockSpec((1, 1, K), lambda b: (b, 0, 0)),
            pl.BlockSpec((1, 1, K), lambda b: (b, 0, 0)),
        ],
        out_shape=[
            jax.ShapeDtypeStruct((B, 1, K), jnp.int32),
            jax.ShapeDtypeStruct((B, 1, K), jnp.int32),
        ],
    )(ln, pn)


def _make_gather_kernel():
    info = plsc.get_sparse_core_info()
    nc = info.num_cores
    mesh = plsc.VectorSubcoreMesh(core_axis_name="c", subcore_axis_name="s")

    @functools.partial(
        pl.kernel,
        out_type=(
            jax.ShapeDtypeStruct((B, K, D), jnp.float32),
            jax.ShapeDtypeStruct((B, K, D), jnp.float32),
        ),
        mesh=mesh,
        scratch_types=[
            pltpu.VMEM((K,), jnp.int32),
            pltpu.VMEM((K,), jnp.int32),
            pltpu.VMEM((16,), jnp.int32),
            pltpu.VMEM((K, D), jnp.float32),
            pltpu.SemaphoreType.DMA,
        ],
    )
    def gather_kernel(ti_hbm, bi_hbm, base_hbm, feat_hbm, tf_hbm, bf_hbm,
                      idxv, gidx, bv, rows, sem):
        w = lax.axis_index("s") * nc + lax.axis_index("c")
        for bi_ in range(B // 32):
            b = w * (B // 32) + bi_
            pltpu.sync_copy(base_hbm.at[b], bv)
            base16 = bv[...]
            for side in range(2):
                src = ti_hbm if side == 0 else bi_hbm
                dst = tf_hbm if side == 0 else bf_hbm
                pltpu.sync_copy(src.at[b], idxv)
                for j in range(K // 16):
                    gidx[pl.ds(j * 16, 16)] = idxv[pl.ds(j * 16, 16)] + base16
                pltpu.async_copy(feat_hbm.at[gidx], rows, sem).wait()
                pltpu.sync_copy(rows, dst.at[b])

    return gather_kernel


_gather_kernel = _make_gather_kernel()


def kernel(local_features, prototypes):
    pn = prototypes / (jnp.linalg.norm(prototypes, axis=-1, keepdims=True) + 1e-08)
    ti3, bi3 = _compute_topk_idx(local_features, pn)
    ti = ti3.reshape(B, K)
    bi = bi3.reshape(B, K)
    bases = jnp.broadcast_to((jnp.arange(B, dtype=jnp.int32) * P)[:, None], (B, 16))
    featrows = local_features.reshape(B * P, D)
    tf, bf = _gather_kernel(ti, bi, bases, featrows)
    return tf, bf, ti, bi

# --- scband reference (transcript-rebuilt; emitter-appended) ---
"""Pipeline reference for scband-lesion-region-selector-26439818674305 (READ-ONLY COPY).

The authoritative reference and input builder live on the scoring server;
editing this copy changes nothing except your own understanding.
"""

import jax, jax.numpy as jnp
import numpy as np

TOP_K = 64
BOTTOM_K = 64

def setup_inputs(seed: int = 0) -> dict:
    key = jax.random.key(seed)
    k1, k2 = jax.random.split(key)
    local_features = jax.random.normal(k1, (64, 8192, 128), dtype=jnp.float32)
    prototypes = jax.random.normal(k2, (64, 1, 128), dtype=jnp.float32)
    return {"local_features": local_features, "prototypes": prototypes}

def reference(local_features, prototypes):
    # normalize_before_sim=True
    local_norm = local_features / (jnp.linalg.norm(local_features, axis=-1, keepdims=True) + 1e-08)
    proto_norm = prototypes / (jnp.linalg.norm(prototypes, axis=-1, keepdims=True) + 1e-08)
    # cosine similarity: bmm(local_norm, proto_norm^T) -> [B, P, C]
    sim = jnp.einsum('bpd,bcd->bpc', local_norm, proto_norm)
    sim = sim.mean(axis=-1)  # [B, P]
    top_k = min(TOP_K, sim.shape[-1])
    bottom_k = min(BOTTOM_K, sim.shape[-1])
    _, top_k_indices = jax.lax.top_k(sim, top_k)          # [B, top_k]
    _, bottom_k_indices = jax.lax.top_k(-sim, bottom_k)   # bottom-k = top-k of negated sim
    top_k_features = jnp.take_along_axis(local_features, top_k_indices[:, :, None], axis=1)
    bottom_k_features = jnp.take_along_axis(local_features, bottom_k_indices[:, :, None], axis=1)
    return (top_k_features, bottom_k_features, top_k_indices, bottom_k_indices)

if __name__ == "__main__":
    import jax
    _d = setup_inputs()
    print(jax.jit(kernel)(*tuple(_d.values())))

</pallas_src>

<mosaic_0001>
#map = affine_map<(d0, d1) -> (0, 0)>
#map1 = affine_map<(d0, d1) -> (0, 0, 0)>
module attributes {stable_mosaic.version = 14 : i64} {
  func.func @gather_kernel(%arg0: i32, %arg1: i32, %arg2: memref<64x64xi32, #tpu.memory_space<hbm>>, %arg3: memref<64x64xi32, #tpu.memory_space<hbm>>, %arg4: memref<64x16xi32, #tpu.memory_space<hbm>>, %arg5: memref<524288x128xf32, #tpu.memory_space<hbm>>, %arg6: memref<64x64x128xf32, #tpu.memory_space<hbm>>, %arg7: memref<64x64x128xf32, #tpu.memory_space<hbm>>, %arg8: memref<64xi32, #tpu.memory_space<vmem>>, %arg9: memref<64xi32, #tpu.memory_space<vmem>>, %arg10: memref<16xi32, #tpu.memory_space<vmem>>, %arg11: memref<64x128xf32, #tpu.memory_space<vmem>>, %arg12: memref<!tpu.dma_semaphore, #tpu.memory_space<semaphore_mem>>) attributes {dimension_semantics = [#tpu.dimension_semantics<core_parallel>, #tpu.dimension_semantics<subcore_parallel>], iteration_bounds = array<i64: 2, 16>, scalar_prefetch = 0 : i64, scratch_operands = 5 : i64, tpu.core_type = #tpu.core_type<sc_vector_subcore>, window_params = [{transform_indices = #map}, {transform_indices = #map}, {transform_indices = #map}, {transform_indices = #map}, {transform_indices = #map1}, {transform_indices = #map1}]} {
    %mul3A = arith.constant 2 : i32
    %mul3A_0 = arith.muli %arg1, %mul3A : i32
    %add3A = arith.addi %mul3A_0, %arg0 : i32
    %mul3A_1 = arith.constant 2 : i32
    %mul3A_2 = arith.muli %add3A, %mul3A_1 : i32
    %add3A_3 = arith.constant 0 : i32
    %add3A_4 = arith.addi %mul3A_2, %add3A_3 : i32
    "tpu.region"() ({
      %run_scoped3A = tpu.sem_alloc : memref<!tpu.dma_semaphore, #tpu.memory_space<semaphore_mem>>
      %dma_start3A_163 = arith.constant 0 : i32
      %dma_start3A_164 = tpu.memref_slice %arg4[%add3A_4, %dma_start3A_163] : memref<64x16xi32, #tpu.memory_space<hbm>> -> memref<1x16xi32, #tpu.memory_space<hbm>>
      %dma_start3A_165 = tpu.memref_squeeze %dma_start3A_164 : memref<1x16xi32, #tpu.memory_space<hbm>> -> memref<16xi32, #tpu.memory_space<hbm>>
      %dma_start3A_166 = arith.constant 0 : i32
      %dma_start3A_167 = tpu.memref_slice %arg4[%add3A_4, %dma_start3A_166] : memref<64x16xi32, #tpu.memory_space<hbm>> -> memref<1x16xi32, #tpu.memory_space<hbm>>
      %dma_start3A_168 = tpu.memref_squeeze %dma_start3A_167 : memref<1x16xi32, #tpu.memory_space<hbm>> -> memref<16xi32, #tpu.memory_space<hbm>>
      tpu.enqueue_dma source(%dma_start3A_168 : memref<16xi32, #tpu.memory_space<hbm>>) target(%arg10 : memref<16xi32, #tpu.memory_space<vmem>>) target_semaphore(%run_scoped3A : memref<!tpu.dma_semaphore, #tpu.memory_space<semaphore_mem>>)
      %dma_wait3A_169 = arith.constant 0 : i32
      %dma_wait3A_170 = tpu.memref_slice %arg4[%add3A_4, %dma_wait3A_169] : memref<64x16xi32, #tpu.memory_space<hbm>> -> memref<1x16xi32, #tpu.memory_space<hbm>>
      %dma_wait3A_171 = tpu.memref_squeeze %dma_wait3A_170 : memref<1x16xi32, #tpu.memory_space<hbm>> -> memref<16xi32, #tpu.memory_space<hbm>>
      %dma_wait3A_172 = arith.constant 0 : i32
      %dma_wait3A_173 = tpu.memref_slice %arg4[%add3A_4, %dma_wait3A_172] : memref<64x16xi32, #tpu.memory_space<hbm>> -> memref<1x16xi32, #tpu.memory_space<hbm>>
      %dma_wait3A_174 = tpu.memref_squeeze %dma_wait3A_173 : memref<1x16xi32, #tpu.memory_space<hbm>> -> memref<16xi32, #tpu.memory_space<hbm>>
      tpu.wait_dma2 semaphore(%run_scoped3A : memref<!tpu.dma_semaphore, #tpu.memory_space<semaphore_mem>>) src(%dma_wait3A_174 : memref<16xi32, #tpu.memory_space<hbm>>) dst(%arg10 : memref<16xi32, #tpu.memory_space<vmem>>)
      tpu.yield
    }) : () -> ()
    %get3A = arith.constant 0 : index
    %get3A_5 = tpu.vector_load %arg10[%get3A] {strides = array<i32>} : memref<16xi32, #tpu.memory_space<vmem>>, vector<16xi32>,
    %get3A_6 = vector.shape_cast %get3A_5 : vector<16xi32> to vector<16xi32>
    "tpu.region"() ({
      %run_scoped3A = tpu.sem_alloc : memref<!tpu.dma_semaphore, #tpu.memory_space<semaphore_mem>>
      %dma_start3A_163 = arith.constant 0 : i32
      %dma_start3A_164 = tpu.memref_slice %arg2[%add3A_4, %dma_start3A_163] : memref<64x64xi32, #tpu.memory_space<hbm>> -> memref<1x64xi32, #tpu.memory_space<hbm>>
      %dma_start3A_165 = tpu.memref_squeeze %dma_start3A_164 : memref<1x64xi32, #tpu.memory_space<hbm>> -> memref<64xi32, #tpu.memory_space<hbm>>
      %dma_start3A_166 = arith.constant 0 : i32
      %dma_start3A_167 = tpu.memref_slice %arg2[%add3A_4, %dma_start3A_166] : memref<64x64xi32, #tpu.memory_space<hbm>> -> memref<1x64xi32, #tpu.memory_space<hbm>>
      %dma_start3A_168 = tpu.memref_squeeze %dma_start3A_167 : memref<1x64xi32, #tpu.memory_space<hbm>> -> memref<64xi32, #tpu.memory_space<hbm>>
      tpu.enqueue_dma source(%dma_start3A_168 : memref<64xi32, #tpu.memory_space<hbm>>) target(%arg8 : memref<64xi32, #tpu.memory_space<vmem>>) target_semaphore(%run_scoped3A : memref<!tpu.dma_semaphore, #tpu.memory_space<semaphore_mem>>)
      %dma_wait3A_169 = arith.constant 0 : i32
      %dma_wait3A_170 = tpu.memref_slice %arg2[%add3A_4, %dma_wait3A_169] : memref<64x64xi32, #tpu.memory_space<hbm>> -> memref<1x64xi32, #tpu.memory_space<hbm>>
      %dma_wait3A_171 = tpu.memref_squeeze %dma_wait3A_170 : memref<1x64xi32, #tpu.memory_space<hbm>> -> memref<64xi32, #tpu.memory_space<hbm>>
      %dma_wait3A_172 = arith.constant 0 : i32
      %dma_wait3A_173 = tpu.memref_slice %arg2[%add3A_4, %dma_wait3A_172] : memref<64x64xi32, #tpu.memory_space<hbm>> -> memref<1x64xi32, #tpu.memory_space<hbm>>
      %dma_wait3A_174 = tpu.memref_squeeze %dma_wait3A_173 : memref<1x64xi32, #tpu.memory_space<hbm>> -> memref<64xi32, #tpu.memory_space<hbm>>
      tpu.wait_dma2 semaphore(%run_scoped3A : memref<!tpu.dma_semaphore, #tpu.memory_space<semaphore_mem>>) src(%dma_wait3A_174 : memref<64xi32, #tpu.memory_space<hbm>>) dst(%arg8 : memref<64xi32, #tpu.memory_space<vmem>>)
      tpu.yield
    }) : () -> ()
    %get3A_7 = arith.constant 0 : index
    %get3A_8 = tpu.vector_load %arg8[%get3A_7] {strides = array<i32>} : memref<64xi32, #tpu.memory_space<vmem>>, vector<16xi32>,
    %get3A_9 = vector.shape_cast %get3A_8 : vector<16xi32> to vector<16xi32>
    %add3A_10 = arith.addi %get3A_9, %get3A_6 : vector<16xi32>
    %swap3A = arith.constant 0 : index
    %swap3A_11 = tpu.vector_load %arg9[%swap3A] {strides = array<i32>} : memref<64xi32, #tpu.memory_space<vmem>>, vector<16xi32>,
    %swap3A_12 = vector.shape_cast %swap3A_11 : vector<16xi32> to vector<16xi32>
    %swap3A_13 = vector.shape_cast %add3A_10 : vector<16xi32> to vector<16xi32>
    tpu.vector_store %arg9[%swap3A], %swap3A_13 {strides = array<i32>} : memref<64xi32, #tpu.memory_space<vmem>>, vector<16xi32>,
    %get3A_14 = arith.constant 16 : index
    %get3A_15 = tpu.vector_load %arg8[%get3A_14] {strides = array<i32>} : memref<64xi32, #tpu.memory_space<vmem>>, vector<16xi32>,
    %get3A_16 = vector.shape_cast %get3A_15 : vector<16xi32> to vector<16xi32>
    %add3A_17 = arith.addi %get3A_16, %get3A_6 : vector<16xi32>
    %swap3A_18 = arith.constant 16 : index
    %swap3A_19 = tpu.vector_load %arg9[%swap3A_18] {strides = array<i32>} : memref<64xi32, #tpu.memory_space<vmem>>, vector<16xi32>,
    %swap3A_20 = vector.shape_cast %swap3A_19 : vector<16xi32> to vector<16xi32>
    %swap3A_21 = vector.shape_cast %add3A_17 : vector<16xi32> to vector<16xi32>
    tpu.vector_store %arg9[%swap3A_18], %swap3A_21 {strides = array<i32>} : memref<64xi32, #tpu.memory_space<vmem>>, vector<16xi32>,
    %get3A_22 = arith.constant 32 : index
    %get3A_23 = tpu.vector_load %arg8[%get3A_22] {strides = array<i32>} : memref<64xi32, #tpu.memory_space<vmem>>, vector<16xi32>,
    %get3A_24 = vector.shape_cast %get3A_23 : vector<16xi32> to vector<16xi32>
    %add3A_25 = arith.addi %get3A_24, %get3A_6 : vector<16xi32>
    %swap3A_26 = arith.constant 32 : index
    %swap3A_27 = tpu.vector_load %arg9[%swap3A_26] {strides = array<i32>} : memref<64xi32, #tpu.memory_space<vmem>>, vector<16xi32>,
    %swap3A_28 = vector.shape_cast %swap3A_27 : vector<16xi32> to vector<16xi32>
    %swap3A_29 = vector.shape_cast %add3A_25 : vector<16xi32> to vector<16xi32>
    tpu.vector_store %arg9[%swap3A_26], %swap3A_29 {strides = array<i32>} : memref<64xi32, #tpu.memory_space<vmem>>, vector<16xi32>,
    %get3A_30 = arith.constant 48 : index
    %get3A_31 = tpu.vector_load %arg8[%get3A_30] {strides = array<i32>} : memref<64xi32, #tpu.memory_space<vmem>>, vector<16xi32>,
    %get3A_32 = vector.shape_cast %get3A_31 : vector<16xi32> to vector<16xi32>
    %add3A_33 = arith.addi %get3A_32, %get3A_6 : vector<16xi32>
    %swap3A_34 = arith.constant 48 : index
    %swap3A_35 = tpu.vector_load %arg9[%swap3A_34] {strides = array<i32>} : memref<64xi32, #tpu.memory_space<vmem>>, vector<16xi32>,
    %swap3A_36 = vector.shape_cast %swap3A_35 : vector<16xi32> to vector<16xi32>
    %swap3A_37 = vector.shape_cast %add3A_33 : vector<16xi32> to vector<16xi32>
    tpu.vector_store %arg9[%swap3A_34], %swap3A_37 {strides = array<i32>} : memref<64xi32, #tpu.memory_space<vmem>>, vector<16xi32>,
    %dma_start3A = arith.constant 0 : i32
    %dma_start3A_38 = arith.constant 0 : i32
    %dma_start3A_39 = tpu.memref_slice %arg5[%dma_start3A, %dma_start3A_38] : memref<524288x128xf32, #tpu.memory_space<hbm>> -> memref<524288x128xf32, #tpu.memory_space<hbm>>
    tpu.enqueue_indirect_dma source(%dma_start3A_39 : memref<524288x128xf32, #tpu.memory_space<hbm>>) target(%arg11 : memref<64x128xf32, #tpu.memory_space<vmem>>) offsets(%arg9 : memref<64xi32, #tpu.memory_space<vmem>>) semaphore(%arg12 : memref<!tpu.dma_semaphore, #tpu.memory_space<semaphore_mem>>)
    %dma_wait3A = arith.constant 0 : i32
    %dma_wait3A_40 = arith.constant 0 : i32
    %dma_wait3A_41 = tpu.memref_slice %arg5[%dma_wait3A, %dma_wait3A_40] : memref<524288x128xf32, #tpu.memory_space<hbm>> -> memref<524288x128xf32, #tpu.memory_space<hbm>>
    tpu.wait_indirect_dma semaphore(%arg12 : memref<!tpu.dma_semaphore, #tpu.memory_space<semaphore_mem>>) src(%dma_wait3A_41 : memref<524288x128xf32, #tpu.memory_space<hbm>>) dst(%arg11 : memref<64x128xf32, #tpu.memory_space<vmem>>)
    "tpu.region"() ({
      %run_scoped3A = tpu.sem_alloc : memref<!tpu.dma_semaphore, #tpu.memory_space<semaphore_mem>>
      %dma_start3A_163 = arith.constant 0 : i32
      %dma_start3A_164 = arith.constant 0 : i32
      %dma_start3A_165 = tpu.memref_slice %arg6[%add3A_4, %dma_start3A_163, %dma_start3A_164] : memref<64x64x128xf32, #tpu.memory_space<hbm>> -> memref<1x64x128xf32, #tpu.memory_space<hbm>>
      %dma_start3A_166 = tpu.memref_squeeze %dma_start3A_165 : memref<1x64x128xf32, #tpu.memory_space<hbm>> -> memref<64x128xf32, #tpu.memory_space<hbm>>
      %dma_start3A_167 = arith.constant 0 : i32
      %dma_start3A_168 = arith.constant 0 : i32
      %dma_start3A_169 = tpu.memref_slice %arg6[%add3A_4, %dma_start3A_167, %dma_start3A_168] : memref<64x64x128xf32, #tpu.memory_space<hbm>> -> memref<1x64x128xf32, #tpu.memory_space<hbm>>
      %dma_start3A_170 = tpu.memref_squeeze %dma_start3A_169 : memref<1x64x128xf32, #tpu.memory_space<hbm>> -> memref<64x128xf32, #tpu.memory_space<hbm>>
      tpu.enqueue_dma source(%arg11 : memref<64x128xf32, #tpu.memory_space<vmem>>) target(%dma_start3A_170 : memref<64x128xf32, #tpu.memory_space<hbm>>) target_semaphore(%run_scoped3A : memref<!tpu.dma_semaphore, #tpu.memory_space<semaphore_mem>>)
      %dma_wait3A_171 = arith.constant 0 : i32
      %dma_wait3A_172 = arith.constant 0 : i32
      %dma_wait3A_173 = tpu.memref_slice %arg6[%add3A_4, %dma_wait3A_171, %dma_wait3A_172] : memref<64x64x128xf32, #tpu.memory_space<hbm>> -> memref<1x64x128xf32, #tpu.memory_space<hbm>>
      %dma_wait3A_174 = tpu.memref_squeeze %dma_wait3A_173 : memref<1x64x128xf32, #tpu.memory_space<hbm>> -> memref<64x128xf32, #tpu.memory_space<hbm>>
      %dma_wait3A_175 = arith.constant 0 : i32
      %dma_wait3A_176 = arith.constant 0 : i32
      %dma_wait3A_177 = tpu.memref_slice %arg6[%add3A_4, %dma_wait3A_175, %dma_wait3A_176] : memref<64x64x128xf32, #tpu.memory_space<hbm>> -> memref<1x64x128xf32, #tpu.memory_space<hbm>>
      %dma_wait3A_178 = tpu.memref_squeeze %dma_wait3A_177 : memref<1x64x128xf32, #tpu.memory_space<hbm>> -> memref<64x128xf32, #tpu.memory_space<hbm>>
      tpu.wait_dma2 semaphore(%run_scoped3A : memref<!tpu.dma_semaphore, #tpu.memory_space<semaphore_mem>>) src(%arg11 : memref<64x128xf32, #tpu.memory_space<vmem>>) dst(%dma_wait3A_178 : memref<64x128xf32, #tpu.memory_space<hbm>>)
      tpu.yield
    }) : () -> ()
    "tpu.region"() ({
      %run_scoped3A = tpu.sem_alloc : memref<!tpu.dma_semaphore, #tpu.memory_space<semaphore_mem>>
      %dma_start3A_163 = arith.constant 0 : i32
      %dma_start3A_164 = tpu.memref_slice %arg3[%add3A_4, %dma_start3A_163] : memref<64x64xi32, #tpu.memory_space<hbm>> -> memref<1x64xi32, #tpu.memory_space<hbm>>
      %dma_start3A_165 = tpu.memref_squeeze %dma_start3A_164 : memref<1x64xi32, #tpu.memory_space<hbm>> -> memref<64xi32, #tpu.memory_space<hbm>>
      %dma_start3A_166 = arith.constant 0 : i32
      %dma_start3A_167 = tpu.memref_slice %arg3[%add3A_4, %dma_start3A_166] : memref<64x64xi32, #tpu.memory_space<hbm>> -> memref<1x64xi32, #tpu.memory_space<hbm>>
      %dma_start3A_168 = tpu.memref_squeeze %dma_start3A_167 : memref<1x64xi32, #tpu.memory_space<hbm>> -> memref<64xi32, #tpu.memory_space<hbm>>
      tpu.enqueue_dma source(%dma_start3A_168 : memref<64xi32, #tpu.memory_space<hbm>>) target(%arg8 : memref<64xi32, #tpu.memory_space<vmem>>) target_semaphore(%run_scoped3A : memref<!tpu.dma_semaphore, #tpu.memory_space<semaphore_mem>>)
      %dma_wait3A_169 = arith.constant 0 : i32
      %dma_wait3A_170 = tpu.memref_slice %arg3[%add3A_4, %dma_wait3A_169] : memref<64x64xi32, #tpu.memory_space<hbm>> -> memref<1x64xi32, #tpu.memory_space<hbm>>
      %dma_wait3A_171 = tpu.memref_squeeze %dma_wait3A_170 : memref<1x64xi32, #tpu.memory_space<hbm>> -> memref<64xi32, #tpu.memory_space<hbm>>
      %dma_wait3A_172 = arith.constant 0 : i32
      %dma_wait3A_173 = tpu.memref_slice %arg3[%add3A_4, %dma_wait3A_172] : memref<64x64xi32, #tpu.memory_space<hbm>> -> memref<1x64xi32, #tpu.memory_space<hbm>>
      %dma_wait3A_174 = tpu.memref_squeeze %dma_wait3A_173 : memref<1x64xi32, #tpu.memory_space<hbm>> -> memref<64xi32, #tpu.memory_space<hbm>>
      tpu.wait_dma2 semaphore(%run_scoped3A : memref<!tpu.dma_semaphore, #tpu.memory_space<semaphore_mem>>) src(%dma_wait3A_174 : memref<64xi32, #tpu.memory_space<hbm>>) dst(%arg8 : memref<64xi32, #tpu.memory_space<vmem>>)
      tpu.yield
    }) : () -> ()
    %get3A_42 = arith.constant 0 : index
    %get3A_43 = tpu.vector_load %arg8[%get3A_42] {strides = array<i32>} : memref<64xi32, #tpu.memory_space<vmem>>, vector<16xi32>,
    %get3A_44 = vector.shape_cast %get3A_43 : vector<16xi32> to vector<16xi32>
    %add3A_45 = arith.addi %get3A_44, %get3A_6 : vector<16xi32>
    %swap3A_46 = arith.constant 0 : index
    %swap3A_47 = tpu.vector_load %arg9[%swap3A_46] {strides = array<i32>} : memref<64xi32, #tpu.memory_space<vmem>>, vector<16xi32>,
    %swap3A_48 = vector.shape_cast %swap3A_47 : vector<16xi32> to vector<16xi32>
    %swap3A_49 = vector.shape_cast %add3A_45 : vector<16xi32> to vector<16xi32>
    tpu.vector_store %arg9[%swap3A_46], %swap3A_49 {strides = array<i32>} : memref<64xi32, #tpu.memory_space<vmem>>, vector<16xi32>,
    %get3A_50 = arith.constant 16 : index
    %get3A_51 = tpu.vector_load %arg8[%get3A_50] {strides = array<i32>} : memref<64xi32, #tpu.memory_space<vmem>>, vector<16xi32>,
    %get3A_52 = vector.shape_cast %get3A_51 : vector<16xi32> to vector<16xi32>
    %add3A_53 = arith.addi %get3A_52, %get3A_6 : vector<16xi32>
    %swap3A_54 = arith.constant 16 : index
    %swap3A_55 = tpu.vector_load %arg9[%swap3A_54] {strides = array<i32>} : memref<64xi32, #tpu.memory_space<vmem>>, vector<16xi32>,
    %swap3A_56 = vector.shape_cast %swap3A_55 : vector<16xi32> to vector<16xi32>
    %swap3A_57 = vector.shape_cast %add3A_53 : vector<16xi32> to vector<16xi32>
    tpu.vector_store %arg9[%swap3A_54], %swap3A_57 {strides = array<i32>} : memref<64xi32, #tpu.memory_space<vmem>>, vector<16xi32>,
    %get3A_58 = arith.constant 32 : index
    %get3A_59 = tpu.vector_load %arg8[%get3A_58] {strides = array<i32>} : memref<64xi32, #tpu.memory_space<vmem>>, vector<16xi32>,
    %get3A_60 = vector.shape_cast %get3A_59 : vector<16xi32> to vector<16xi32>
    %add3A_61 = arith.addi %get3A_60, %get3A_6 : vector<16xi32>
    %swap3A_62 = arith.constant 32 : index
    %swap3A_63 = tpu.vector_load %arg9[%swap3A_62] {strides = array<i32>} : memref<64xi32, #tpu.memory_space<vmem>>, vector<16xi32>,
    %swap3A_64 = vector.shape_cast %swap3A_63 : vector<16xi32> to vector<16xi32>
    %swap3A_65 = vector.shape_cast %add3A_61 : vector<16xi32> to vector<16xi32>
    tpu.vector_store %arg9[%swap3A_62], %swap3A_65 {strides = array<i32>} : memref<64xi32, #tpu.memory_space<vmem>>, vector<16xi32>,
    %get3A_66 = arith.constant 48 : index
    %get3A_67 = tpu.vector_load %arg8[%get3A_66] {strides = array<i32>} : memref<64xi32, #tpu.memory_space<vmem>>, vector<16xi32>,
    %get3A_68 = vector.shape_cast %get3A_67 : vector<16xi32> to vector<16xi32>
    %add3A_69 = arith.addi %get3A_68, %get3A_6 : vector<16xi32>
    %swap3A_70 = arith.constant 48 : index
    %swap3A_71 = tpu.vector_load %arg9[%swap3A_70] {strides = array<i32>} : memref<64xi32, #tpu.memory_space<vmem>>, vector<16xi32>,
    %swap3A_72 = vector.shape_cast %swap3A_71 : vector<16xi32> to vector<16xi32>
    %swap3A_73 = vector.shape_cast %add3A_69 : vector<16xi32> to vector<16xi32>
    tpu.vector_store %arg9[%swap3A_70], %swap3A_73 {strides = array<i32>} : memref<64xi32, #tpu.memory_space<vmem>>, vector<16xi32>,
    %dma_start3A_74 = arith.constant 0 : i32
    %dma_start3A_75 = arith.constant 0 : i32
    %dma_start3A_76 = tpu.memref_slice %arg5[%dma_start3A_74, %dma_start3A_75] : memref<524288x128xf32, #tpu.memory_space<hbm>> -> memref<524288x128xf32, #tpu.memory_space<hbm>>
    tpu.enqueue_indirect_dma source(%dma_start3A_76 : memref<524288x128xf32, #tpu.memory_space<hbm>>) target(%arg11 : memref<64x128xf32, #tpu.memory_space<vmem>>) offsets(%arg9 : memref<64xi32, #tpu.memory_space<vmem>>) semaphore(%arg12 : memref<!tpu.dma_semaphore, #tpu.memory_space<semaphore_mem>>)
    %dma_wait3A_77 = arith.constant 0 : i32
    %dma_wait3A_78 = arith.constant 0 : i32
    %dma_wait3A_79 = tpu.memref_slice %arg5[%dma_wait3A_77, %dma_wait3A_78] : memref<524288x128xf32, #tpu.memory_space<hbm>> -> memref<524288x128xf32, #tpu.memory_space<hbm>>
    tpu.wait_indirect_dma semaphore(%arg12 : memref<!tpu.dma_semaphore, #tpu.memory_space<semaphore_mem>>) src(%dma_wait3A_79 : memref<524288x128xf32, #tpu.memory_space<hbm>>) dst(%arg11 : memref<64x128xf32, #tpu.memory_space<vmem>>)
    "tpu.region"() ({
      %run_scoped3A = tpu.sem_alloc : memref<!tpu.dma_semaphore, #tpu.memory_space<semaphore_mem>>
      %dma_start3A_163 = arith.constant 0 : i32
      %dma_start3A_164 = arith.constant 0 : i32
      %dma_start3A_165 = tpu.memref_slice %arg7[%add3A_4, %dma_start3A_163, %dma_start3A_164] : memref<64x64x128xf32, #tpu.memory_space<hbm>> -> memref<1x64x128xf32, #tpu.memory_space<hbm>>
      %dma_start3A_166 = tpu.memref_squeeze %dma_start3A_165 : memref<1x64x128xf32, #tpu.memory_space<hbm>> -> memref<64x128xf32, #tpu.memory_space<hbm>>
      %dma_start3A_167 = arith.constant 0 : i32
      %dma_start3A_168 = arith.constant 0 : i32
      %dma_start3A_169 = tpu.memref_slice %arg7[%add3A_4, %dma_start3A_167, %dma_start3A_168] : memref<64x64x128xf32, #tpu.memory_space<hbm>> -> memref<1x64x128xf32, #tpu.memory_space<hbm>>
      %dma_start3A_170 = tpu.memref_squeeze %dma_start3A_169 : memref<1x64x128xf32, #tpu.memory_space<hbm>> -> memref<64x128xf32, #tpu.memory_space<hbm>>
      tpu.enqueue_dma source(%arg11 : memref<64x128xf32, #tpu.memory_space<vmem>>) target(%dma_start3A_170 : memref<64x128xf32, #tpu.memory_space<hbm>>) target_semaphore(%run_scoped3A : memref<!tpu.dma_semaphore, #tpu.memory_space<semaphore_mem>>)
      %dma_wait3A_171 = arith.constant 0 : i32
      %dma_wait3A_172 = arith.constant 0 : i32
      %dma_wait3A_173 = tpu.memref_slice %arg7[%add3A_4, %dma_wait3A_171, %dma_wait3A_172] : memref<64x64x128xf32, #tpu.memory_space<hbm>> -> memref<1x64x128xf32, #tpu.memory_space<hbm>>
      %dma_wait3A_174 = tpu.memref_squeeze %dma_wait3A_173 : memref<1x64x128xf32, #tpu.memory_space<hbm>> -> memref<64x128xf32, #tpu.memory_space<hbm>>
      %dma_wait3A_175 = arith.constant 0 : i32
      %dma_wait3A_176 = arith.constant 0 : i32
      %dma_wait3A_177 = tpu.memref_slice %arg7[%add3A_4, %dma_wait3A_175, %dma_wait3A_176] : memref<64x64x128xf32, #tpu.memory_space<hbm>> -> memref<1x64x128xf32, #tpu.memory_space<hbm>>
      %dma_wait3A_178 = tpu.memref_squeeze %dma_wait3A_177 : memref<1x64x128xf32, #tpu.memory_space<hbm>> -> memref<64x128xf32, #tpu.memory_space<hbm>>
      tpu.wait_dma2 semaphore(%run_scoped3A : memref<!tpu.dma_semaphore, #tpu.memory_space<semaphore_mem>>) src(%arg11 : memref<64x128xf32, #tpu.memory_space<vmem>>) dst(%dma_wait3A_178 : memref<64x128xf32, #tpu.memory_space<hbm>>)
      tpu.yield
    }) : () -> ()
    %mul3A_80 = arith.constant 2 : i32
    %mul3A_81 = arith.muli %add3A, %mul3A_80 : i32
    %add3A_82 = arith.constant 1 : i32
    %add3A_83 = arith.addi %mul3A_81, %add3A_82 : i32
    "tpu.region"() ({
      %run_scoped3A = tpu.sem_alloc : memref<!tpu.dma_semaphore, #tpu.memory_space<semaphore_mem>>
      %dma_start3A_163 = arith.constant 0 : i32
      %dma_start3A_164 = tpu.memref_slice %arg4[%add3A_83, %dma_start3A_163] : memref<64x16xi32, #tpu.memory_space<hbm>> -> memref<1x16xi32, #tpu.memory_space<hbm>>
      %dma_start3A_165 = tpu.memref_squeeze %dma_start3A_164 : memref<1x16xi32, #tpu.memory_space<hbm>> -> memref<16xi32, #tpu.memory_space<hbm>>
      %dma_start3A_166 = arith.constant 0 : i32
      %dma_start3A_167 = tpu.memref_slice %arg4[%add3A_83, %dma_start3A_166] : memref<64x16xi32, #tpu.memory_space<hbm>> -> memref<1x16xi32, #tpu.memory_space<hbm>>
      %dma_start3A_168 = tpu.memref_squeeze %dma_start3A_167 : memref<1x16xi32, #tpu.memory_space<hbm>> -> memref<16xi32, #tpu.memory_space<hbm>>
      tpu.enqueue_dma source(%dma_start3A_168 : memref<16xi32, #tpu.memory_space<hbm>>) target(%arg10 : memref<16xi32, #tpu.memory_space<vmem>>) target_semaphore(%run_scoped3A : memref<!tpu.dma_semaphore, #tpu.memory_space<semaphore_mem>>)
      %dma_wait3A_169 = arith.constant 0 : i32
      %dma_wait3A_170 = tpu.memref_slice %arg4[%add3A_83, %dma_wait3A_169] : memref<64x16xi32, #tpu.memory_space<hbm>> -> memref<1x16xi32, #tpu.memory_space<hbm>>
      %dma_wait3A_171 = tpu.memref_squeeze %dma_wait3A_170 : memref<1x16xi32, #tpu.memory_space<hbm>> -> memref<16xi32, #tpu.memory_space<hbm>>
      %dma_wait3A_172 = arith.constant 0 : i32
      %dma_wait3A_173 = tpu.memref_slice %arg4[%add3A_83, %dma_wait3A_172] : memref<64x16xi32, #tpu.memory_space<hbm>> -> memref<1x16xi32, #tpu.memory_space<hbm>>
      %dma_wait3A_174 = tpu.memref_squeeze %dma_wait3A_173 : memref<1x16xi32, #tpu.memory_space<hbm>> -> memref<16xi32, #tpu.memory_space<hbm>>
      tpu.wait_dma2 semaphore(%run_scoped3A : memref<!tpu.dma_semaphore, #tpu.memory_space<semaphore_mem>>) src(%dma_wait3A_174 : memref<16xi32, #tpu.memory_space<hbm>>) dst(%arg10 : memref<16xi32, #tpu.memory_space<vmem>>)
      tpu.yield
    }) : () -> ()
    %get3A_84 = arith.constant 0 : index
    %get3A_85 = tpu.vector_load %arg10[%get3A_84] {strides = array<i32>} : memref<16xi32, #tpu.memory_space<vmem>>, vector<16xi32>,
    %get3A_86 = vector.shape_cast %get3A_85 : vector<16xi32> to vector<16xi32>
    "tpu.region"() ({
      %run_scoped3A = tpu.sem_alloc : memref<!tpu.dma_semaphore, #tpu.memory_space<semaphore_mem>>
      %dma_start3A_163 = arith.constant 0 : i32
      %dma_start3A_164 = tpu.memref_slice %arg2[%add3A_83, %dma_start3A_163] : memref<64x64xi32, #tpu.memory_space<hbm>> -> memref<1x64xi32, #tpu.memory_space<hbm>>
      %dma_start3A_165 = tpu.memref_squeeze %dma_start3A_164 : memref<1x64xi32, #tpu.memory_space<hbm>> -> memref<64xi32, #tpu.memory_space<hbm>>
      %dma_start3A_166 = arith.constant 0 : i32
      %dma_start3A_167 = tpu.memref_slice %arg2[%add3A_83, %dma_start3A_166] : memref<64x64xi32, #tpu.memory_space<hbm>> -> memref<1x64xi32, #tpu.memory_space<hbm>>
      %dma_start3A_168 = tpu.memref_squeeze %dma_start3A_167 : memref<1x64xi32, #tpu.memory_space<hbm>> -> memref<64xi32, #tpu.memory_space<hbm>>
      tpu.enqueue_dma source(%dma_start3A_168 : memref<64xi32, #tpu.memory_space<hbm>>) target(%arg8 : memref<64xi32, #tpu.memory_space<vmem>>) target_semaphore(%run_scoped3A : memref<!tpu.dma_semaphore, #tpu.memory_space<semaphore_mem>>)
      %dma_wait3A_169 = arith.constant 0 : i32
      %dma_wait3A_170 = tpu.memref_slice %arg2[%add3A_83, %dma_wait3A_169] : memref<64x64xi32, #tpu.memory_space<hbm>> -> memref<1x64xi32, #tpu.memory_space<hbm>>
      %dma_wait3A_171 = tpu.memref_squeeze %dma_wait3A_170 : memref<1x64xi32, #tpu.memory_space<hbm>> -> memref<64xi32, #tpu.memory_space<hbm>>
      %dma_wait3A_172 = arith.constant 0 : i32
      %dma_wait3A_173 = tpu.memref_slice %arg2[%add3A_83, %dma_wait3A_172] : memref<64x64xi32, #tpu.memory_space<hbm>> -> memref<1x64xi32, #tpu.memory_space<hbm>>
      %dma_wait3A_174 = tpu.memref_squeeze %dma_wait3A_173 : memref<1x64xi32, #tpu.memory_space<hbm>> -> memref<64xi32, #tpu.memory_space<hbm>>
      tpu.wait_dma2 semaphore(%run_scoped3A : memref<!tpu.dma_semaphore, #tpu.memory_space<semaphore_mem>>) src(%dma_wait3A_174 : memref<64xi32, #tpu.memory_space<hbm>>) dst(%arg8 : memref<64xi32, #tpu.memory_space<vmem>>)
      tpu.yield
    }) : () -> ()
    %get3A_87 = arith.constant 0 : index
    %get3A_88 = tpu.vector_load %arg8[%get3A_87] {strides = array<i32>} : memref<64xi32, #tpu.memory_space<vmem>>, vector<16xi32>,
    %get3A_89 = vector.shape_cast %get3A_88 : vector<16xi32> to vector<16xi32>
    %add3A_90 = arith.addi %get3A_89, %get3A_86 : vector<16xi32>
    %swap3A_91 = arith.constant 0 : index
    %swap3A_92 = tpu.vector_load %arg9[%swap3A_91] {strides = array<i32>} : memref<64xi32, #tpu.memory_space<vmem>>, vector<16xi32>,
    %swap3A_93 = vector.shape_cast %swap3A_92 : vector<16xi32> to vector<16xi32>
    %swap3A_94 = vector.shape_cast %add3A_90 : vector<16xi32> to vector<16xi32>
    tpu.vector_store %arg9[%swap3A_91], %swap3A_94 {strides = array<i32>} : memref<64xi32, #tpu.memory_space<vmem>>, vector<16xi32>,
    %get3A_95 = arith.constant 16 : index
    %get3A_96 = tpu.vector_load %arg8[%get3A_95] {strides = array<i32>} : memref<64xi32, #tpu.memory_space<vmem>>, vector<16xi32>,
    %get3A_97 = vector.shape_cast %get3A_96 : vector<16xi32> to vector<16xi32>
    %add3A_98 = arith.addi %get3A_97, %get3A_86 : vector<16xi32>
    %swap3A_99 = arith.constant 16 : index
    %swap3A_100 = tpu.vector_load %arg9[%swap3A_99] {strides = array<i32>} : memref<64xi32, #tpu.memory_space<vmem>>, vector<16xi32>,
    %swap3A_101 = vector.shape_cast %swap3A_100 : vector<16xi32> to vector<16xi32>
    %swap3A_102 = vector.shape_cast %add3A_98 : vector<16xi32> to vector<16xi32>
    tpu.vector_store %arg9[%swap3A_99], %swap3A_102 {strides = array<i32>} : memref<64xi32, #tpu.memory_space<vmem>>, vector<16xi32>,
    %get3A_103 = arith.constant 32 : index
    %get3A_104 = tpu.vector_load %arg8[%get3A_103] {strides = array<i32>} : memref<64xi32, #tpu.memory_space<vmem>>, vector<16xi32>,
    %get3A_105 = vector.shape_cast %get3A_104 : vector<16xi32> to vector<16xi32>
    %add3A_106 = arith.addi %get3A_105, %get3A_86 : vector<16xi32>
    %swap3A_107 = arith.constant 32 : index
    %swap3A_108 = tpu.vector_load %arg9[%swap3A_107] {strides = array<i32>} : memref<64xi32, #tpu.memory_space<vmem>>, vector<16xi32>,
    %swap3A_109 = vector.shape_cast %swap3A_108 : vector<16xi32> to vector<16xi32>
    %swap3A_110 = vector.shape_cast %add3A_106 : vector<16xi32> to vector<16xi32>
    tpu.vector_store %arg9[%swap3A_107], %swap3A_110 {strides = array<i32>} : memref<64xi32, #tpu.memory_space<vmem>>, vector<16xi32>,
    %get3A_111 = arith.constant 48 : index
    %get3A_112 = tpu.vector_load %arg8[%get3A_111] {strides = array<i32>} : memref<64xi32, #tpu.memory_space<vmem>>, vector<16xi32>,
    %get3A_113 = vector.shape_cast %get3A_112 : vector<16xi32> to vector<16xi32>
    %add3A_114 = arith.addi %get3A_113, %get3A_86 : vector<16xi32>
    %swap3A_115 = arith.constant 48 : index
    %swap3A_116 = tpu.vector_load %arg9[%swap3A_115] {strides = array<i32>} : memref<64xi32, #tpu.memory_space<vmem>>, vector<16xi32>,
    %swap3A_117 = vector.shape_cast %swap3A_116 : vector<16xi32> to vector<16xi32>
    %swap3A_118 = vector.shape_cast %add3A_114 : vector<16xi32> to vector<16xi32>
    tpu.vector_store %arg9[%swap3A_115], %swap3A_118 {strides = array<i32>} : memref<64xi32, #tpu.memory_space<vmem>>, vector<16xi32>,
    %dma_start3A_119 = arith.constant 0 : i32
    %dma_start3A_120 = arith.constant 0 : i32
    %dma_start3A_121 = tpu.memref_slice %arg5[%dma_start3A_119, %dma_start3A_120] : memref<524288x128xf32, #tpu.memory_space<hbm>> -> memref<524288x128xf32, #tpu.memory_space<hbm>>
    tpu.enqueue_indirect_dma source(%dma_start3A_121 : memref<524288x128xf32, #tpu.memory_space<hbm>>) target(%arg11 : memref<64x128xf32, #tpu.memory_space<vmem>>) offsets(%arg9 : memref<64xi32, #tpu.memory_space<vmem>>) semaphore(%arg12 : memref<!tpu.dma_semaphore, #tpu.memory_space<semaphore_mem>>)
    %dma_wait3A_122 = arith.constant 0 : i32
    %dma_wait3A_123 = arith.constant 0 : i32
    %dma_wait3A_124 = tpu.memref_slice %arg5[%dma_wait3A_122, %dma_wait3A_123] : memref<524288x128xf32, #tpu.memory_space<hbm>> -> memref<524288x128xf32, #tpu.memory_space<hbm>>
    tpu.wait_indirect_dma semaphore(%arg12 : memref<!tpu.dma_semaphore, #tpu.memory_space<semaphore_mem>>) src(%dma_wait3A_124 : memref<524288x128xf32, #tpu.memory_space<hbm>>) dst(%arg11 : memref<64x128xf32, #tpu.memory_space<vmem>>)
    "tpu.region"() ({
      %run_scoped3A = tpu.sem_alloc : memref<!tpu.dma_semaphore, #tpu.memory_space<semaphore_mem>>
      %dma_start3A_163 = arith.constant 0 : i32
      %dma_start3A_164 = arith.constant 0 : i32
      %dma_start3A_165 = tpu.memref_slice %arg6[%add3A_83, %dma_start3A_163, %dma_start3A_164] : memref<64x64x128xf32, #tpu.memory_space<hbm>> -> memref<1x64x128xf32, #tpu.memory_space<hbm>>
      %dma_start3A_166 = tpu.memref_squeeze %dma_start3A_165 : memref<1x64x128xf32, #tpu.memory_space<hbm>> -> memref<64x128xf32, #tpu.memory_space<hbm>>
      %dma_start3A_167 = arith.constant 0 : i32
      %dma_start3A_168 = arith.constant 0 : i32
      %dma_start3A_169 = tpu.memref_slice %arg6[%add3A_83, %dma_start3A_167, %dma_start3A_168] : memref<64x64x128xf32, #tpu.memory_space<hbm>> -> memref<1x64x128xf32, #tpu.memory_space<hbm>>
      %dma_start3A_170 = tpu.memref_squeeze %dma_start3A_169 : memref<1x64x128xf32, #tpu.memory_space<hbm>> -> memref<64x128xf32, #tpu.memory_space<hbm>>
      tpu.enqueue_dma source(%arg11 : memref<64x128xf32, #tpu.memory_space<vmem>>) target(%dma_start3A_170 : memref<64x128xf32, #tpu.memory_space<hbm>>) target_semaphore(%run_scoped3A : memref<!tpu.dma_semaphore, #tpu.memory_space<semaphore_mem>>)
      %dma_wait3A_171 = arith.constant 0 : i32
      %dma_wait3A_172 = arith.constant 0 : i32
      %dma_wait3A_173 = tpu.memref_slice %arg6[%add3A_83, %dma_wait3A_171, %dma_wait3A_172] : memref<64x64x128xf32, #tpu.memory_space<hbm>> -> memref<1x64x128xf32, #tpu.memory_space<hbm>>
      %dma_wait3A_174 = tpu.memref_squeeze %dma_wait3A_173 : memref<1x64x128xf32, #tpu.memory_space<hbm>> -> memref<64x128xf32, #tpu.memory_space<hbm>>
      %dma_wait3A_175 = arith.constant 0 : i32
      %dma_wait3A_176 = arith.constant 0 : i32
      %dma_wait3A_177 = tpu.memref_slice %arg6[%add3A_83, %dma_wait3A_175, %dma_wait3A_176] : memref<64x64x128xf32, #tpu.memory_space<hbm>> -> memref<1x64x128xf32, #tpu.memory_space<hbm>>
      %dma_wait3A_178 = tpu.memref_squeeze %dma_wait3A_177 : memref<1x64x128xf32, #tpu.memory_space<hbm>> -> memref<64x128xf32, #tpu.memory_space<hbm>>
      tpu.wait_dma2 semaphore(%run_scoped3A : memref<!tpu.dma_semaphore, #tpu.memory_space<semaphore_mem>>) src(%arg11 : memref<64x128xf32, #tpu.memory_space<vmem>>) dst(%dma_wait3A_178 : memref<64x128xf32, #tpu.memory_space<hbm>>)
      tpu.yield
    }) : () -> ()
    "tpu.region"() ({
      %run_scoped3A = tpu.sem_alloc : memref<!tpu.dma_semaphore, #tpu.memory_space<semaphore_mem>>
      %dma_start3A_163 = arith.constant 0 : i32
      %dma_start3A_164 = tpu.memref_slice %arg3[%add3A_83, %dma_start3A_163] : memref<64x64xi32, #tpu.memory_space<hbm>> -> memref<1x64xi32, #tpu.memory_space<hbm>>
      %dma_start3A_165 = tpu.memref_squeeze %dma_start3A_164 : memref<1x64xi32, #tpu.memory_space<hbm>> -> memref<64xi32, #tpu.memory_space<hbm>>
      %dma_start3A_166 = arith.constant 0 : i32
      %dma_start3A_167 = tpu.memref_slice %arg3[%add3A_83, %dma_start3A_166] : memref<64x64xi32, #tpu.memory_space<hbm>> -> memref<1x64xi32, #tpu.memory_space<hbm>>
      %dma_start3A_168 = tpu.memref_squeeze %dma_start3A_167 : memref<1x64xi32, #tpu.memory_space<hbm>> -> memref<64xi32, #tpu.memory_space<hbm>>
      tpu.enqueue_dma source(%dma_start3A_168 : memref<64xi32, #tpu.memory_space<hbm>>) target(%arg8 : memref<64xi32, #tpu.memory_space<vmem>>) target_semaphore(%run_scoped3A : memref<!tpu.dma_semaphore, #tpu.memory_space<semaphore_mem>>)
      %dma_wait3A_169 = arith.constant 0 : i32
      %dma_wait3A_170 = tpu.memref_slice %arg3[%add3A_83, %dma_wait3A_169] : memref<64x64xi32, #tpu.memory_space<hbm>> -> memref<1x64xi32, #tpu.memory_space<hbm>>
      %dma_wait3A_171 = tpu.memref_squeeze %dma_wait3A_170 : memref<1x64xi32, #tpu.memory_space<hbm>> -> memref<64xi32, #tpu.memory_space<hbm>>
      %dma_wait3A_172 = arith.constant 0 : i32
      %dma_wait3A_173 = tpu.memref_slice %arg3[%add3A_83, %dma_wait3A_172] : memref<64x64xi32, #tpu.memory_space<hbm>> -> memref<1x64xi32, #tpu.memory_space<hbm>>
      %dma_wait3A_174 = tpu.memref_squeeze %dma_wait3A_173 : memref<1x64xi32, #tpu.memory_space<hbm>> -> memref<64xi32, #tpu.memory_space<hbm>>
      tpu.wait_dma2 semaphore(%run_scoped3A : memref<!tpu.dma_semaphore, #tpu.memory_space<semaphore_mem>>) src(%dma_wait3A_174 : memref<64xi32, #tpu.memory_space<hbm>>) dst(%arg8 : memref<64xi32, #tpu.memory_space<vmem>>)
      tpu.yield
    }) : () -> ()
    %get3A_125 = arith.constant 0 : index
    %get3A_126 = tpu.vector_load %arg8[%get3A_125] {strides = array<i32>} : memref<64xi32, #tpu.memory_space<vmem>>, vector<16xi32>,
    %get3A_127 = vector.shape_cast %get3A_126 : vector<16xi32> to vector<16xi32>
    %add3A_128 = arith.addi %get3A_127, %get3A_86 : vector<16xi32>
    %swap3A_129 = arith.constant 0 : index
    %swap3A_130 = tpu.vector_load %arg9[%swap3A_129] {strides = array<i32>} : memref<64xi32, #tpu.memory_space<vmem>>, vector<16xi32>,
    %swap3A_131 = vector.shape_cast %swap3A_130 : vector<16xi32> to vector<16xi32>
    %swap3A_132 = vector.shape_cast %add3A_128 : vector<16xi32> to vector<16xi32>
    tpu.vector_store %arg9[%swap3A_129], %swap3A_132 {strides = array<i32>} : memref<64xi32, #tpu.memory_space<vmem>>, vector<16xi32>,
    %get3A_133 = arith.constant 16 : index
    %get3A_134 = tpu.vector_load %arg8[%get3A_133] {strides = array<i32>} : memref<64xi32, #tpu.memory_space<vmem>>, vector<16xi32>,
    %get3A_135 = vector.shape_cast %get3A_134 : vector<16xi32> to vector<16xi32>
    %add3A_136 = arith.addi %get3A_135, %get3A_86 : vector<16xi32>
    %swap3A_137 = arith.constant 16 : index
    %swap3A_138 = tpu.vector_load %arg9[%swap3A_137] {strides = array<i32>} : memref<64xi32, #tpu.memory_space<vmem>>, vector<16xi32>,
    %swap3A_139 = vector.shape_cast %swap3A_138 : vector<16xi32> to vector<16xi32>
    %swap3A_140 = vector.shape_cast %add3A_136 : vector<16xi32> to vector<16xi32>
    tpu.vector_store %arg9[%swap3A_137], %swap3A_140 {strides = array<i32>} : memref<64xi32, #tpu.memory_space<vmem>>, vector<16xi32>,
    %get3A_141 = arith.constant 32 : index
    %get3A_142 = tpu.vector_load %arg8[%get3A_141] {strides = array<i32>} : memref<64xi32, #tpu.memory_space<vmem>>, vector<16xi32>,
    %get3A_143 = vector.shape_cast %get3A_142 : vector<16xi32> to vector<16xi32>
    %add3A_144 = arith.addi %get3A_143, %get3A_86 : vector<16xi32>
    %swap3A_145 = arith.constant 32 : index
    %swap3A_146 = tpu.vector_load %arg9[%swap3A_145] {strides = array<i32>} : memref<64xi32, #tpu.memory_space<vmem>>, vector<16xi32>,
    %swap3A_147 = vector.shape_cast %swap3A_146 : vector<16xi32> to vector<16xi32>
    %swap3A_148 = vector.shape_cast %add3A_144 : vector<16xi32> to vector<16xi32>
    tpu.vector_store %arg9[%swap3A_145], %swap3A_148 {strides = array<i32>} : memref<64xi32, #tpu.memory_space<vmem>>, vector<16xi32>,
    %get3A_149 = arith.constant 48 : index
    %get3A_150 = tpu.vector_load %arg8[%get3A_149] {strides = array<i32>} : memref<64xi32, #tpu.memory_space<vmem>>, vector<16xi32>,
    %get3A_151 = vector.shape_cast %get3A_150 : vector<16xi32> to vector<16xi32>
    %add3A_152 = arith.addi %get3A_151, %get3A_86 : vector<16xi32>
    %swap3A_153 = arith.constant 48 : index
    %swap3A_154 = tpu.vector_load %arg9[%swap3A_153] {strides = array<i32>} : memref<64xi32, #tpu.memory_space<vmem>>, vector<16xi32>,
    %swap3A_155 = vector.shape_cast %swap3A_154 : vector<16xi32> to vector<16xi32>
    %swap3A_156 = vector.shape_cast %add3A_152 : vector<16xi32> to vector<16xi32>
    tpu.vector_store %arg9[%swap3A_153], %swap3A_156 {strides = array<i32>} : memref<64xi32, #tpu.memory_space<vmem>>, vector<16xi32>,
    %dma_start3A_157 = arith.constant 0 : i32
    %dma_start3A_158 = arith.constant 0 : i32
    %dma_start3A_159 = tpu.memref_slice %arg5[%dma_start3A_157, %dma_start3A_158] : memref<524288x128xf32, #tpu.memory_space<hbm>> -> memref<524288x128xf32, #tpu.memory_space<hbm>>
    tpu.enqueue_indirect_dma source(%dma_start3A_159 : memref<524288x128xf32, #tpu.memory_space<hbm>>) target(%arg11 : memref<64x128xf32, #tpu.memory_space<vmem>>) offsets(%arg9 : memref<64xi32, #tpu.memory_space<vmem>>) semaphore(%arg12 : memref<!tpu.dma_semaphore, #tpu.memory_space<semaphore_mem>>)
    %dma_wait3A_160 = arith.constant 0 : i32
    %dma_wait3A_161 = arith.constant 0 : i32
    %dma_wait3A_162 = tpu.memref_slice %arg5[%dma_wait3A_160, %dma_wait3A_161] : memref<524288x128xf32, #tpu.memory_space<hbm>> -> memref<524288x128xf32, #tpu.memory_space<hbm>>
    tpu.wait_indirect_dma semaphore(%arg12 : memref<!tpu.dma_semaphore, #tpu.memory_space<semaphore_mem>>) src(%dma_wait3A_162 : memref<524288x128xf32, #tpu.memory_space<hbm>>) dst(%arg11 : memref<64x128xf32, #tpu.memory_space<vmem>>)
    "tpu.region"() ({
      %run_scoped3A = tpu.sem_alloc : memref<!tpu.dma_semaphore, #tpu.memory_space<semaphore_mem>>
      %dma_start3A_163 = arith.constant 0 : i32
      %dma_start3A_164 = arith.constant 0 : i32
      %dma_start3A_165 = tpu.memref_slice %arg7[%add3A_83, %dma_start3A_163, %dma_start3A_164] : memref<64x64x128xf32, #tpu.memory_space<hbm>> -> memref<1x64x128xf32, #tpu.memory_space<hbm>>
      %dma_start3A_166 = tpu.memref_squeeze %dma_start3A_165 : memref<1x64x128xf32, #tpu.memory_space<hbm>> -> memref<64x128xf32, #tpu.memory_space<hbm>>
      %dma_start3A_167 = arith.constant 0 : i32
      %dma_start3A_168 = arith.constant 0 : i32
      %dma_start3A_169 = tpu.memref_slice %arg7[%add3A_83, %dma_start3A_167, %dma_start3A_168] : memref<64x64x128xf32, #tpu.memory_space<hbm>> -> memref<1x64x128xf32, #tpu.memory_space<hbm>>
      %dma_start3A_170 = tpu.memref_squeeze %dma_start3A_169 : memref<1x64x128xf32, #tpu.memory_space<hbm>> -> memref<64x128xf32, #tpu.memory_space<hbm>>
      tpu.enqueue_dma source(%arg11 : memref<64x128xf32, #tpu.memory_space<vmem>>) target(%dma_start3A_170 : memref<64x128xf32, #tpu.memory_space<hbm>>) target_semaphore(%run_scoped3A : memref<!tpu.dma_semaphore, #tpu.memory_space<semaphore_mem>>)
      %dma_wait3A_171 = arith.constant 0 : i32
      %dma_wait3A_172 = arith.constant 0 : i32
      %dma_wait3A_173 = tpu.memref_slice %arg7[%add3A_83, %dma_wait3A_171, %dma_wait3A_172] : memref<64x64x128xf32, #tpu.memory_space<hbm>> -> memref<1x64x128xf32, #tpu.memory_space<hbm>>
      %dma_wait3A_174 = tpu.memref_squeeze %dma_wait3A_173 : memref<1x64x128xf32, #tpu.memory_space<hbm>> -> memref<64x128xf32, #tpu.memory_space<hbm>>
      %dma_wait3A_175 = arith.constant 0 : i32
      %dma_wait3A_176 = arith.constant 0 : i32
      %dma_wait3A_177 = tpu.memref_slice %arg7[%add3A_83, %dma_wait3A_175, %dma_wait3A_176] : memref<64x64x128xf32, #tpu.memory_space<hbm>> -> memref<1x64x128xf32, #tpu.memory_space<hbm>>
      %dma_wait3A_178 = tpu.memref_squeeze %dma_wait3A_177 : memref<1x64x128xf32, #tpu.memory_space<hbm>> -> memref<64x128xf32, #tpu.memory_space<hbm>>
      tpu.wait_dma2 semaphore(%run_scoped3A : memref<!tpu.dma_semaphore, #tpu.memory_space<semaphore_mem>>) src(%arg11 : memref<64x128xf32, #tpu.memory_space<vmem>>) dst(%dma_wait3A_178 : memref<64x128xf32, #tpu.memory_space<hbm>>)
      tpu.yield
    }) : () -> ()
    return
  }
}

module attributes {stable_mosaic.version = 14 : i64} {
  func.func @_sim_topk_body(%arg0: i32, %arg1: memref<1x8192x128xf32, #tpu.memory_space<vmem>>, %arg2: memref<1x1x128xf32, #tpu.memory_space<vmem>>, %arg3: memref<1x1x64xi32, #tpu.memory_space<vmem>>, %arg4: memref<1x1x64xi32, #tpu.memory_space<vmem>>) attributes {dimension_semantics = [#tpu.dimension_semantics<arbitrary>], iteration_bounds = array<i64: 64>, scalar_prefetch = 0 : i64, scratch_operands = 0 : i64, tpu.core_type = #tpu.core_type<tc>, window_params = [{transform_indices = @transform_0, window_bounds = array<i64: 1, 8192, 128>}, {transform_indices = @transform_1, window_bounds = array<i64: 1, 1, 128>}, {transform_indices = @transform_2, window_bounds = array<i64: 1, 1, 64>}, {transform_indices = @transform_3, window_bounds = array<i64: 1, 1, 64>}]} {
    %get3A = arith.constant 0 : index
    %get3A_0 = arith.constant 0 : index
    %get3A_1 = arith.constant 0 : index
    %get3A_2 = vector.load %arg1[%get3A, %get3A_0, %get3A_1] : memref<1x8192x128xf32, #tpu.memory_space<vmem>>, vector<1x8192x128xf32>
    %get3A_3 = vector.shape_cast %get3A_2 : vector<1x8192x128xf32> to vector<8192x128xf32>
    %mul3A = arith.mulf %get3A_3, %get3A_3 : vector<8192x128xf32>
    %reduce_sum3A = arith.constant dense<0.000000e+00> : vector<8192xf32>
    %reduce_sum3A_4 = vector.multi_reduction <add>, %mul3A, %reduce_sum3A [1] : vector<8192x128xf32> to vector<8192xf32>
    %broadcast_in_dim3A = vector.shape_cast %reduce_sum3A_4 : vector<8192xf32> to vector<8192x1xf32>
    %eq3A = arith.constant 0.000000e+00 : f32
    %eq3A_5 = vector.broadcast %eq3A : f32 to vector<8192x1xf32>
    %eq3A_6 = arith.cmpf oeq, %broadcast_in_dim3A, %eq3A_5 : vector<8192x1xf32>
    %rsqrt3A = math.rsqrt %broadcast_in_dim3A : vector<8192x1xf32>
    %mul3A_7 = arith.mulf %broadcast_in_dim3A, %rsqrt3A : vector<8192x1xf32>
    %jit3A = arith.constant 0.000000e+00 : f32
    %broadcast_in_dim3A_8 = vector.broadcast %jit3A : f32 to vector<8192x1xf32>
    %select_n3A = arith.select %eq3A_6, %broadcast_in_dim3A_8, %mul3A_7 : vector<8192x1xi1>, vector<8192x1xf32>
    %add3A = arith.constant 9.99999993E-9 : f32
    %add3A_9 = vector.broadcast %add3A : f32 to vector<8192x1xf32>
    %add3A_10 = arith.addf %select_n3A, %add3A_9 : vector<8192x1xf32>
    %div3A = arith.constant 1.000000e+00 : f32
    %div3A_11 = vector.broadcast %div3A : f32 to vector<8192x1xf32>
    %div3A_12 = arith.divf %div3A_11, %add3A_10 : vector<8192x1xf32>
    %mul3A_13 = vector.broadcast %div3A_12 : vector<8192x1xf32> to vector<8192x128xf32>
    %mul3A_14 = arith.mulf %get3A_3, %mul3A_13 : vector<8192x128xf32>
    %convert_element_type3A = arith.truncf %mul3A_14 : vector<8192x128xf32> to vector<8192x128xbf16>
    %get3A_15 = arith.constant 0 : index
    %get3A_16 = arith.constant 0 : index
    %get3A_17 = arith.constant 0 : index
    %get3A_18 = vector.load %arg2[%get3A_15, %get3A_16, %get3A_17] : memref<1x1x128xf32, #tpu.memory_space<vmem>>, vector<1x1x128xf32>
    %get3A_19 = vector.shape_cast %get3A_18 : vector<1x1x128xf32> to vector<1x128xf32>
    %convert_element_type3A_20 = arith.truncf %get3A_19 : vector<1x128xf32> to vector<1x128xbf16>
    %dot_general3A = arith.constant dense<0.000000e+00> : vector<1x8192xf32>
    %dot_general3A_21 = tpu.matmul %convert_element_type3A_20, %convert_element_type3A, %dot_general3A {dimension_numbers = #tpu.dot_dimension_numbers<[1], [1], [0], [0], [0, 0, 1, 0], [], []>, transpose_lhs_hint = false} : vector<1x128xbf16>, vector<8192x128xbf16>, vector<1x8192xf32> -> vector<1x8192xf32>
    %reshape3A = vector.shape_cast %dot_general3A_21 : vector<1x8192xf32> to vector<64x128xf32>
    %iota3A = tpu.iota {dimensions = array<i32: 1>} : vector<64x128xi32>
    %iota3A_22 = tpu.iota {dimensions = array<i32: 0>} : vector<64x128xi32>
    %mul3A_23 = arith.constant 128 : i32
    %mul3A_24 = vector.broadcast %mul3A_23 : i32 to vector<64x128xi32>
    %mul3A_25 = arith.muli %iota3A_22, %mul3A_24 : vector<64x128xi32>
    %add3A_26 = arith.addi %mul3A_25, %iota3A : vector<64x128xi32>
    %iota3A_27 = tpu.iota {dimensions = array<i32: 1>} : vector<1x64xi32>
    %convert_element_type3A_28 = arith.sitofp %iota3A_27 : vector<1x64xi32> to vector<1x64xf32>
    %broadcast_in_dim3A_29 = arith.constant 8192 : i32
    %broadcast_in_dim3A_30 = vector.broadcast %broadcast_in_dim3A_29 : i32 to vector<64x128xi32>
    %iota3A_31 = tpu.iota {dimensions = array<i32: 0>} : vector<128x128xi32>
    %iota3A_32 = tpu.iota {dimensions = array<i32: 1>} : vector<128x128xi32>
    %eq3A_33 = arith.cmpi eq, %iota3A_31, %iota3A_32 : vector<128x128xi32>
    %jit3A_34 = arith.constant 1.000000e+00 : f32
    %jit3A_35 = arith.constant 0.000000e+00 : f32
    %broadcast_in_dim3A_36 = vector.broadcast %jit3A_34 : f32 to vector<128x128xf32>
    %broadcast_in_dim3A_37 = vector.broadcast %jit3A_35 : f32 to vector<128x128xf32>
    %select_n3A_38 = arith.select %eq3A_33, %broadcast_in_dim3A_36, %broadcast_in_dim3A_37 : vector<128x128xi1>, vector<128x128xf32>
    %iota3A_39 = tpu.iota {dimensions = array<i32: 0>} : vector<128x128xi32>
    %iota3A_40 = tpu.iota {dimensions = array<i32: 1>} : vector<128x128xi32>
    %lt3A = arith.cmpi slt, %iota3A_39, %iota3A_40 : vector<128x128xi32>
    %jit3A_41 = arith.constant 1.000000e+00 : f32
    %jit3A_42 = arith.constant 0.000000e+00 : f32
    %broadcast_in_dim3A_43 = vector.broadcast %jit3A_41 : f32 to vector<128x128xf32>
    %broadcast_in_dim3A_44 = vector.broadcast %jit3A_42 : f32 to vector<128x128xf32>
    %select_n3A_45 = arith.select %lt3A, %broadcast_in_dim3A_43, %broadcast_in_dim3A_44 : vector<128x128xi1>, vector<128x128xf32>
    %iota3A_46 = tpu.iota {dimensions = array<i32: 1>} : vector<64x64xi32>
    %iota3A_47 = tpu.iota {dimensions = array<i32: 0>} : vector<64x64xi32>
    %lt3A_48 = arith.cmpi slt, %iota3A_46, %iota3A_47 : vector<64x64xi32>
    %jit3A_49 = arith.constant 1.000000e+00 : f32
    %jit3A_50 = arith.constant 0.000000e+00 : f32
    %broadcast_in_dim3A_51 = vector.broadcast %jit3A_49 : f32 to vector<64x64xf32>
    %broadcast_in_dim3A_52 = vector.broadcast %jit3A_50 : f32 to vector<64x64xf32>
    %select_n3A_53 = arith.select %lt3A_48, %broadcast_in_dim3A_51, %broadcast_in_dim3A_52 : vector<64x64xi1>, vector<64x64xf32>
    %broadcast_in_dim3A_54 = arith.constant 1.000000e+00 : f32
    %broadcast_in_dim3A_55 = vector.broadcast %broadcast_in_dim3A_54 : f32 to vector<128x1xf32>
    %iota3A_56 = tpu.iota {dimensions = array<i32: 0>} : vector<128x128xi32>
    %iota3A_57 = tpu.iota {dimensions = array<i32: 1>} : vector<128x128xi32>
    %iota3A_58 = tpu.iota {dimensions = array<i32: 1>} : vector<1x8192xi32>
    %convert_element_type3A_59 = arith.sitofp %iota3A_58 : vector<1x8192xi32> to vector<1x8192xf32>
    %broadcast_in_dim3A_60 = arith.constant 1.000000e+00 : f32
    %broadcast_in_dim3A_61 = vector.broadcast %broadcast_in_dim3A_60 : f32 to vector<1x8192xf32>
    %iota3A_62 = tpu.iota {dimensions = array<i32: 0>} : vector<128x8192xi32>
    %convert_element_type3A_63 = arith.sitofp %iota3A_62 : vector<128x8192xi32> to vector<128x8192xf32>
    %slice3A = vector.extract_strided_slice %reshape3A {offsets = [0, 0], sizes = [32, 128], strides = [1, 1]} : vector<64x128xf32> to vector<32x128xf32>
    %slice3A_64 = vector.extract_strided_slice %reshape3A {offsets = [32, 0], sizes = [32, 128], strides = [1, 1]} : vector<64x128xf32> to vector<32x128xf32>
    %max3A = arith.maximumf %slice3A, %slice3A_64 : vector<32x128xf32>
    %slice3A_65 = vector.extract_strided_slice %max3A {offsets = [0, 0], sizes = [16, 128], strides = [1, 1]} : vector<32x128xf32> to vector<16x128xf32>
    %slice3A_66 = vector.extract_strided_slice %max3A {offsets = [16, 0], sizes = [16, 128], strides = [1, 1]} : vector<32x128xf32> to vector<16x128xf32>
    %max3A_67 = arith.maximumf %slice3A_65, %slice3A_66 : vector<16x128xf32>
    %slice3A_68 = vector.extract_strided_slice %max3A_67 {offsets = [0, 0], sizes = [8, 128], strides = [1, 1]} : vector<16x128xf32> to vector<8x128xf32>
    %slice3A_69 = vector.extract_strided_slice %max3A_67 {offsets = [8, 0], sizes = [8, 128], strides = [1, 1]} : vector<16x128xf32> to vector<8x128xf32>
    %max3A_70 = arith.maximumf %slice3A_68, %slice3A_69 : vector<8x128xf32>
    %roll3A = arith.constant 4 : i32
    %roll3A_71 = tpu.dynamic_rotate %max3A_70 by %roll3A dim 0 : vector<8x128xf32>, i32 -> vector<8x128xf32>
    %max3A_72 = arith.maximumf %max3A_70, %roll3A_71 : vector<8x128xf32>
    %roll3A_73 = arith.constant 2 : i32
    %roll3A_74 = tpu.dynamic_rotate %max3A_72 by %roll3A_73 dim 0 : vector<8x128xf32>, i32 -> vector<8x128xf32>
    %max3A_75 = arith.maximumf %max3A_72, %roll3A_74 : vector<8x128xf32>
    %roll3A_76 = arith.constant 1 : i32
    %roll3A_77 = tpu.dynamic_rotate %max3A_75 by %roll3A_76 dim 0 : vector<8x128xf32>, i32 -> vector<8x128xf32>
    %max3A_78 = arith.maximumf %max3A_75, %roll3A_77 : vector<8x128xf32>
    %slice3A_79 = vector.extract_strided_slice %max3A_78 {offsets = [0, 0], sizes = [1, 128], strides = [1, 1]} : vector<8x128xf32> to vector<1x128xf32>
    %dot_general3A_80 = arith.constant dense<0.000000e+00> : vector<128x1xf32>
    %dot_general3A_81 = tpu.matmul %select_n3A_38, %slice3A_79, %dot_general3A_80 {dimension_numbers = #tpu.dot_dimension_numbers<[1], [1], [0], [0], [0, 0, 1, 0], [], []>, precision = #tpu.contract_precision<fp32>, transpose_lhs_hint = false} : vector<128x128xf32>, vector<1x128xf32>, vector<128x1xf32> -> vector<128x1xf32>
    %gt3A = vector.broadcast %slice3A_79 : vector<1x128xf32> to vector<128x128xf32>
    %gt3A_82 = vector.broadcast %dot_general3A_81 : vector<128x1xf32> to vector<128x128xf32>
    %gt3A_83 = arith.cmpf ogt, %gt3A, %gt3A_82 : vector<128x128xf32>
    %eq3A_84 = vector.broadcast %slice3A_79 : vector<1x128xf32> to vector<128x128xf32>
    %eq3A_85 = vector.broadcast %dot_general3A_81 : vector<128x1xf32> to vector<128x128xf32>
    %eq3A_86 = arith.cmpf oeq, %eq3A_84, %eq3A_85 : vector<128x128xf32>
    %lt3A_87 = arith.cmpi slt, %iota3A_57, %iota3A_56 : vector<128x128xi32>
    %and3A = arith.andi %eq3A_86, %lt3A_87 : vector<128x128xi1>
    %or3A = arith.ori %gt3A_83, %and3A : vector<128x128xi1>
    %jit3A_88 = arith.constant 1.000000e+00 : f32
    %jit3A_89 = arith.constant 0.000000e+00 : f32
    %broadcast_in_dim3A_90 = vector.broadcast %jit3A_88 : f32 to vector<128x128xf32>
    %broadcast_in_dim3A_91 = vector.broadcast %jit3A_89 : f32 to vector<128x128xf32>
    %select_n3A_92 = arith.select %or3A, %broadcast_in_dim3A_90, %broadcast_in_dim3A_91 : vector<128x128xi1>, vector<128x128xf32>
    %dot_general3A_93 = arith.constant dense<0.000000e+00> : vector<128x1xf32>
    %dot_general3A_94 = tpu.matmul %select_n3A_92, %broadcast_in_dim3A_55, %dot_general3A_93 {dimension_numbers = #tpu.dot_dimension_numbers<[1], [0], [0], [1], [0, 0, 1, 1], [], []>, precision = #tpu.contract_precision<fp32>, transpose_lhs_hint = false} : vector<128x128xf32>, vector<128x1xf32>, vector<128x1xf32> -> vector<128x1xf32>
    %eq3A_95 = arith.constant 6.300000e+01 : f32
    %eq3A_96 = vector.broadcast %eq3A_95 : f32 to vector<128x1xf32>
    %eq3A_97 = arith.cmpf oeq, %dot_general3A_94, %eq3A_96 : vector<128x1xf32>
    %jit3A_98 = arith.constant 0xFF800000 : f32
    %broadcast_in_dim3A_99 = vector.broadcast %jit3A_98 : f32 to vector<128x1xf32>
    %select_n3A_100 = arith.select %eq3A_97, %dot_general3A_81, %broadcast_in_dim3A_99 : vector<128x1xi1>, vector<128x1xf32>
    %slice3A_101 = vector.extract_strided_slice %select_n3A_100 {offsets = [0, 0], sizes = [64, 1], strides = [1, 1]} : vector<128x1xf32> to vector<64x1xf32>
    %slice3A_102 = vector.extract_strided_slice %select_n3A_100 {offsets = [64, 0], sizes = [64, 1], strides = [1, 1]} : vector<128x1xf32> to vector<64x1xf32>
    %max3A_103 = arith.maximumf %slice3A_101, %slice3A_102 : vector<64x1xf32>
    %slice3A_104 = vector.extract_strided_slice %max3A_103 {offsets = [0, 0], sizes = [32, 1], strides = [1, 1]} : vector<64x1xf32> to vector<32x1xf32>
    %slice3A_105 = vector.extract_strided_slice %max3A_103 {offsets = [32, 0], sizes = [32, 1], strides = [1, 1]} : vector<64x1xf32> to vector<32x1xf32>
    %max3A_106 = arith.maximumf %slice3A_104, %slice3A_105 : vector<32x1xf32>
    %slice3A_107 = vector.extract_strided_slice %max3A_106 {offsets = [0, 0], sizes = [16, 1], strides = [1, 1]} : vector<32x1xf32> to vector<16x1xf32>
    %slice3A_108 = vector.extract_strided_slice %max3A_106 {offsets = [16, 0], sizes = [16, 1], strides = [1, 1]} : vector<32x1xf32> to vector<16x1xf32>
    %max3A_109 = arith.maximumf %slice3A_107, %slice3A_108 : vector<16x1xf32>
    %slice3A_110 = vector.extract_strided_slice %max3A_109 {offsets = [0, 0], sizes = [8, 1], strides = [1, 1]} : vector<16x1xf32> to vector<8x1xf32>
    %slice3A_111 = vector.extract_strided_slice %max3A_109 {offsets = [8, 0], sizes = [8, 1], strides = [1, 1]} : vector<16x1xf32> to vector<8x1xf32>
    %max3A_112 = arith.maximumf %slice3A_110, %slice3A_111 : vector<8x1xf32>
    %roll3A_113 = arith.constant 4 : i32
    %roll3A_114 = tpu.dynamic_rotate %max3A_112 by %roll3A_113 dim 0 : vector<8x1xf32>, i32 -> vector<8x1xf32>
    %max3A_115 = arith.maximumf %max3A_112, %roll3A_114 : vector<8x1xf32>
    %roll3A_116 = arith.constant 2 : i32
    %roll3A_117 = tpu.dynamic_rotate %max3A_115 by %roll3A_116 dim 0 : vector<8x1xf32>, i32 -> vector<8x1xf32>
    %max3A_118 = arith.maximumf %max3A_115, %roll3A_117 : vector<8x1xf32>
    %roll3A_119 = arith.constant 1 : i32
    %roll3A_120 = tpu.dynamic_rotate %max3A_118 by %roll3A_119 dim 0 : vector<8x1xf32>, i32 -> vector<8x1xf32>
    %max3A_121 = arith.maximumf %max3A_118, %roll3A_120 : vector<8x1xf32>
    %slice3A_122 = vector.extract_strided_slice %max3A_121 {offsets = [0, 0], sizes = [1, 1], strides = [1, 1]} : vector<8x1xf32> to vector<1x1xf32>
    %ge3A = vector.broadcast %slice3A_122 : vector<1x1xf32> to vector<64x128xf32>
    %ge3A_123 = arith.cmpf oge, %reshape3A, %ge3A : vector<64x128xf32>
    %jit3A_124 = arith.constant 1.000000e+00 : f32
    %jit3A_125 = arith.constant 0.000000e+00 : f32
    %broadcast_in_dim3A_126 = vector.broadcast %jit3A_124 : f32 to vector<64x128xf32>
    %broadcast_in_dim3A_127 = vector.broadcast %jit3A_125 : f32 to vector<64x128xf32>
    %select_n3A_128 = arith.select %ge3A_123, %broadcast_in_dim3A_126, %broadcast_in_dim3A_127 : vector<64x128xi1>, vector<64x128xf32>
    %dot_general3A_129 = arith.constant dense<0.000000e+00> : vector<64x1xf32>
    %dot_general3A_130 = tpu.matmul %select_n3A_128, %broadcast_in_dim3A_55, %dot_general3A_129 {dimension_numbers = #tpu.dot_dimension_numbers<[1], [0], [0], [1], [0, 0, 1, 1], [], []>, precision = #tpu.contract_precision<fp32>, transpose_lhs_hint = false} : vector<64x128xf32>, vector<128x1xf32>, vector<64x1xf32> -> vector<64x1xf32>
    %slice3A_131 = vector.extract_strided_slice %dot_general3A_130 {offsets = [0, 0], sizes = [32, 1], strides = [1, 1]} : vector<64x1xf32> to vector<32x1xf32>
    %slice3A_132 = vector.extract_strided_slice %dot_general3A_130 {offsets = [32, 0], sizes = [32, 1], strides = [1, 1]} : vector<64x1xf32> to vector<32x1xf32>
    %add3A_133 = arith.addf %slice3A_131, %slice3A_132 : vector<32x1xf32>
    %slice3A_134 = vector.extract_strided_slice %add3A_133 {offsets = [0, 0], sizes = [16, 1], strides = [1, 1]} : vector<32x1xf32> to vector<16x1xf32>
    %slice3A_135 = vector.extract_strided_slice %add3A_133 {offsets = [16, 0], sizes = [16, 1], strides = [1, 1]} : vector<32x1xf32> to vector<16x1xf32>
    %add3A_136 = arith.addf %slice3A_134, %slice3A_135 : vector<16x1xf32>
    %slice3A_137 = vector.extract_strided_slice %add3A_136 {offsets = [0, 0], sizes = [8, 1], strides = [1, 1]} : vector<16x1xf32> to vector<8x1xf32>
    %slice3A_138 = vector.extract_strided_slice %add3A_136 {offsets = [8, 0], sizes = [8, 1], strides = [1, 1]} : vector<16x1xf32> to vector<8x1xf32>
    %add3A_139 = arith.addf %slice3A_137, %slice3A_138 : vector<8x1xf32>
    %roll3A_140 = arith.constant 4 : i32
    %roll3A_141 = tpu.dynamic_rotate %add3A_139 by %roll3A_140 dim 0 : vector<8x1xf32>, i32 -> vector<8x1xf32>
    %add3A_142 = arith.addf %add3A_139, %roll3A_141 : vector<8x1xf32>
    %roll3A_143 = arith.constant 2 : i32
    %roll3A_144 = tpu.dynamic_rotate %add3A_142 by %roll3A_143 dim 0 : vector<8x1xf32>, i32 -> vector<8x1xf32>
    %add3A_145 = arith.addf %add3A_142, %roll3A_144 : vector<8x1xf32>
    %roll3A_146 = arith.constant 1 : i32
    %roll3A_147 = tpu.dynamic_rotate %add3A_145 by %roll3A_146 dim 0 : vector<8x1xf32>, i32 -> vector<8x1xf32>
    %add3A_148 = arith.addf %add3A_145, %roll3A_147 : vector<8x1xf32>
    %slice3A_149 = vector.extract_strided_slice %add3A_148 {offsets = [0, 0], sizes = [1, 1], strides = [1, 1]} : vector<8x1xf32> to vector<1x1xf32>
    %dot_general3A_150 = arith.constant dense<0.000000e+00> : vector<64x128xf32>
    %dot_general3A_151 = tpu.matmul %select_n3A_128, %select_n3A_45, %dot_general3A_150 {dimension_numbers = #tpu.dot_dimension_numbers<[1], [0], [0], [1], [0, 0, 1, 1], [], []>, precision = #tpu.contract_precision<fp32>, transpose_lhs_hint = false} : vector<64x128xf32>, vector<128x128xf32>, vector<64x128xf32> -> vector<64x128xf32>
    %dot_general3A_152 = arith.constant dense<0.000000e+00> : vector<64x1xf32>
    %dot_general3A_153 = tpu.matmul %select_n3A_53, %dot_general3A_130, %dot_general3A_152 {dimension_numbers = #tpu.dot_dimension_numbers<[1], [0], [0], [1], [0, 0, 1, 1], [], []>, precision = #tpu.contract_precision<fp32>, transpose_lhs_hint = false} : vector<64x64xf32>, vector<64x1xf32>, vector<64x1xf32> -> vector<64x1xf32>
    %add3A_154 = vector.broadcast %dot_general3A_153 : vector<64x1xf32> to vector<64x128xf32>
    %add3A_155 = arith.addf %add3A_154, %dot_general3A_151 : vector<64x128xf32>
    %jit3A_156 = arith.constant 3.000000e+02 : f32
    %broadcast_in_dim3A_157 = vector.broadcast %jit3A_156 : f32 to vector<64x128xf32>
    %select_n3A_158 = arith.select %ge3A_123, %add3A_155, %broadcast_in_dim3A_157 : vector<64x128xi1>, vector<64x128xf32>
    %reshape3A_159 = vector.shape_cast %select_n3A_158 : vector<64x128xf32> to vector<1x8192xf32>
    %eq3A_160 = vector.broadcast %reshape3A_159 : vector<1x8192xf32> to vector<128x8192xf32>
    %eq3A_161 = arith.cmpf oeq, %convert_element_type3A_63, %eq3A_160 : vector<128x8192xf32>
    %jit3A_162 = arith.constant 1.000000e+00 : f32
    %jit3A_163 = arith.constant 0.000000e+00 : f32
    %broadcast_in_dim3A_164 = vector.broadcast %jit3A_162 : f32 to vector<128x8192xf32>
    %broadcast_in_dim3A_165 = vector.broadcast %jit3A_163 : f32 to vector<128x8192xf32>
    %select_n3A_166 = arith.select %eq3A_161, %broadcast_in_dim3A_164, %broadcast_in_dim3A_165 : vector<128x8192xi1>, vector<128x8192xf32>
    %concatenate3A = tpu.concatenate %dot_general3A_21, %convert_element_type3A_59, %broadcast_in_dim3A_61 in 0 : vector<1x8192xf32>, vector<1x8192xf32>, vector<1x8192xf32> -> vector<3x8192xf32>
    %dot_general3A_167 = arith.constant dense<0.000000e+00> : vector<128x3xf32>
    %dot_general3A_168 = tpu.matmul %select_n3A_166, %concatenate3A, %dot_general3A_167 {dimension_numbers = #tpu.dot_dimension_numbers<[1], [1], [0], [0], [0, 0, 1, 0], [], []>, precision = #tpu.contract_precision<fp32>, transpose_lhs_hint = false} : vector<128x8192xf32>, vector<3x8192xf32>, vector<128x3xf32> -> vector<128x3xf32>
    %slice3A_169 = vector.extract_strided_slice %dot_general3A_168 {offsets = [0, 2], sizes = [128, 1], strides = [1, 1]} : vector<128x3xf32> to vector<128x1xf32>
    %gt3A_170 = arith.constant 5.000000e-01 : f32
    %gt3A_171 = vector.broadcast %gt3A_170 : f32 to vector<128x1xf32>
    %gt3A_172 = arith.cmpf ogt, %slice3A_169, %gt3A_171 : vector<128x1xf32>
    %slice3A_173 = vector.extract_strided_slice %dot_general3A_168 {offsets = [0, 0], sizes = [128, 1], strides = [1, 1]} : vector<128x3xf32> to vector<128x1xf32>
    %jit3A_174 = arith.constant -1.000000e+09 : f32
    %broadcast_in_dim3A_175 = vector.broadcast %jit3A_174 : f32 to vector<128x1xf32>
    %select_n3A_176 = arith.select %gt3A_172, %slice3A_173, %broadcast_in_dim3A_175 : vector<128x1xi1>, vector<128x1xf32>
    %gt3A_177 = arith.constant 5.000000e-01 : f32
    %gt3A_178 = vector.broadcast %gt3A_177 : f32 to vector<128x1xf32>
    %gt3A_179 = arith.cmpf ogt, %slice3A_169, %gt3A_178 : vector<128x1xf32>
    %slice3A_180 = vector.extract_strided_slice %dot_general3A_168 {offsets = [0, 1], sizes = [128, 1], strides = [1, 1]} : vector<128x3xf32> to vector<128x1xf32>
    %jit3A_181 = arith.constant 1.000000e+09 : f32
    %broadcast_in_dim3A_182 = vector.broadcast %jit3A_181 : f32 to vector<128x1xf32>
    %select_n3A_183 = arith.select %gt3A_179, %slice3A_180, %broadcast_in_dim3A_182 : vector<128x1xi1>, vector<128x1xf32>
    %dot_general3A_184 = arith.constant dense<0.000000e+00> : vector<1x128xf32>
    %dot_general3A_185 = tpu.matmul %select_n3A_176, %select_n3A_38, %dot_general3A_184 {dimension_numbers = #tpu.dot_dimension_numbers<[0], [0], [1], [1], [0, 1, 1, 1], [], []>, precision = #tpu.contract_precision<fp32>, transpose_lhs_hint = false} : vector<128x1xf32>, vector<128x128xf32>, vector<1x128xf32> -> vector<1x128xf32>
    %dot_general3A_186 = arith.constant dense<0.000000e+00> : vector<1x128xf32>
    %dot_general3A_187 = tpu.matmul %select_n3A_183, %select_n3A_38, %dot_general3A_186 {dimension_numbers = #tpu.dot_dimension_numbers<[0], [0], [1], [1], [0, 1, 1, 1], [], []>, precision = #tpu.contract_precision<fp32>, transpose_lhs_hint = false} : vector<128x1xf32>, vector<128x128xf32>, vector<1x128xf32> -> vector<1x128xf32>
    %gt3A_188 = vector.broadcast %dot_general3A_185 : vector<1x128xf32> to vector<128x128xf32>
    %gt3A_189 = vector.broadcast %select_n3A_176 : vector<128x1xf32> to vector<128x128xf32>
    %gt3A_190 = arith.cmpf ogt, %gt3A_188, %gt3A_189 : vector<128x128xf32>
    %eq3A_191 = vector.broadcast %dot_general3A_185 : vector<1x128xf32> to vector<128x128xf32>
    %eq3A_192 = vector.broadcast %select_n3A_176 : vector<128x1xf32> to vector<128x128xf32>
    %eq3A_193 = arith.cmpf oeq, %eq3A_191, %eq3A_192 : vector<128x128xf32>
    %lt3A_194 = vector.broadcast %dot_general3A_187 : vector<1x128xf32> to vector<128x128xf32>
    %lt3A_195 = vector.broadcast %select_n3A_183 : vector<128x1xf32> to vector<128x128xf32>
    %lt3A_196 = arith.cmpf olt, %lt3A_194, %lt3A_195 : vector<128x128xf32>
    %and3A_197 = arith.andi %eq3A_193, %lt3A_196 : vector<128x128xi1>
    %or3A_198 = arith.ori %gt3A_190, %and3A_197 : vector<128x128xi1>
    %jit3A_199 = arith.constant 1.000000e+00 : f32
    %jit3A_200 = arith.constant 0.000000e+00 : f32
    %broadcast_in_dim3A_201 = vector.broadcast %jit3A_199 : f32 to vector<128x128xf32>
    %broadcast_in_dim3A_202 = vector.broadcast %jit3A_200 : f32 to vector<128x128xf32>
    %select_n3A_203 = arith.select %or3A_198, %broadcast_in_dim3A_201, %broadcast_in_dim3A_202 : vector<128x128xi1>, vector<128x128xf32>
    %dot_general3A_204 = arith.constant dense<0.000000e+00> : vector<128x1xf32>
    %dot_general3A_205 = tpu.matmul %select_n3A_203, %broadcast_in_dim3A_55, %dot_general3A_204 {dimension_numbers = #tpu.dot_dimension_numbers<[1], [0], [0], [1], [0, 0, 1, 1], [], []>, precision = #tpu.contract_precision<fp32>, transpose_lhs_hint = false} : vector<128x128xf32>, vector<128x1xf32>, vector<128x1xf32> -> vector<128x1xf32>
    %eq3A_206 = vector.broadcast %dot_general3A_205 : vector<128x1xf32> to vector<128x64xf32>
    %eq3A_207 = vector.broadcast %convert_element_type3A_28 : vector<1x64xf32> to vector<128x64xf32>
    %eq3A_208 = arith.cmpf oeq, %eq3A_206, %eq3A_207 : vector<128x64xf32>
    %jit3A_209 = arith.constant 1.000000e+00 : f32
    %jit3A_210 = arith.constant 0.000000e+00 : f32
    %broadcast_in_dim3A_211 = vector.broadcast %jit3A_209 : f32 to vector<128x64xf32>
    %broadcast_in_dim3A_212 = vector.broadcast %jit3A_210 : f32 to vector<128x64xf32>
    %select_n3A_213 = arith.select %eq3A_208, %broadcast_in_dim3A_211, %broadcast_in_dim3A_212 : vector<128x64xi1>, vector<128x64xf32>
    %dot_general3A_214 = arith.constant dense<0.000000e+00> : vector<1x64xf32>
    %dot_general3A_215 = tpu.matmul %dot_general3A_187, %select_n3A_213, %dot_general3A_214 {dimension_numbers = #tpu.dot_dimension_numbers<[1], [0], [0], [1], [0, 0, 1, 1], [], []>, precision = #tpu.contract_precision<fp32>, transpose_lhs_hint = false} : vector<1x128xf32>, vector<128x64xf32>, vector<1x64xf32> -> vector<1x64xf32>
    %neg3A = arith.constant 0.000000e+00 : f32
    %neg3A_216 = vector.broadcast %neg3A : f32 to vector<64x128xf32>
    %neg3A_217 = arith.subf %neg3A_216, %reshape3A : vector<64x128xf32>
    %neg3A_218 = arith.constant 0.000000e+00 : f32
    %neg3A_219 = vector.broadcast %neg3A_218 : f32 to vector<1x8192xf32>
    %neg3A_220 = arith.subf %neg3A_219, %dot_general3A_21 : vector<1x8192xf32>
    %slice3A_221 = vector.extract_strided_slice %neg3A_217 {offsets = [0, 0], sizes = [32, 128], strides = [1, 1]} : vector<64x128xf32> to vector<32x128xf32>
    %slice3A_222 = vector.extract_strided_slice %neg3A_217 {offsets = [32, 0], sizes = [32, 128], strides = [1, 1]} : vector<64x128xf32> to vector<32x128xf32>
    %max3A_223 = arith.maximumf %slice3A_221, %slice3A_222 : vector<32x128xf32>
    %slice3A_224 = vector.extract_strided_slice %max3A_223 {offsets = [0, 0], sizes = [16, 128], strides = [1, 1]} : vector<32x128xf32> to vector<16x128xf32>
    %slice3A_225 = vector.extract_strided_slice %max3A_223 {offsets = [16, 0], sizes = [16, 128], strides = [1, 1]} : vector<32x128xf32> to vector<16x128xf32>
    %max3A_226 = arith.maximumf %slice3A_224, %slice3A_225 : vector<16x128xf32>
    %slice3A_227 = vector.extract_strided_slice %max3A_226 {offsets = [0, 0], sizes = [8, 128], strides = [1, 1]} : vector<16x128xf32> to vector<8x128xf32>
    %slice3A_228 = vector.extract_strided_slice %max3A_226 {offsets = [8, 0], sizes = [8, 128], strides = [1, 1]} : vector<16x128xf32> to vector<8x128xf32>
    %max3A_229 = arith.maximumf %slice3A_227, %slice3A_228 : vector<8x128xf32>
    %roll3A_230 = arith.constant 4 : i32
    %roll3A_231 = tpu.dynamic_rotate %max3A_229 by %roll3A_230 dim 0 : vector<8x128xf32>, i32 -> vector<8x128xf32>
    %max3A_232 = arith.maximumf %max3A_229, %roll3A_231 : vector<8x128xf32>
    %roll3A_233 = arith.constant 2 : i32
    %roll3A_234 = tpu.dynamic_rotate %max3A_232 by %roll3A_233 dim 0 : vector<8x128xf32>, i32 -> vector<8x128xf32>
    %max3A_235 = arith.maximumf %max3A_232, %roll3A_234 : vector<8x128xf32>
    %roll3A_236 = arith.constant 1 : i32
    %roll3A_237 = tpu.dynamic_rotate %max3A_235 by %roll3A_236 dim 0 : vector<8x128xf32>, i32 -> vector<8x128xf32>
    %max3A_238 = arith.maximumf %max3A_235, %roll3A_237 : vector<8x128xf32>
    %slice3A_239 = vector.extract_strided_slice %max3A_238 {offsets = [0, 0], sizes = [1, 128], strides = [1, 1]} : vector<8x128xf32> to vector<1x128xf32>
    %dot_general3A_240 = arith.constant dense<0.000000e+00> : vector<128x1xf32>
    %dot_general3A_241 = tpu.matmul %select_n3A_38, %slice3A_239, %dot_general3A_240 {dimension_numbers = #tpu.dot_dimension_numbers<[1], [1], [0], [0], [0, 0, 1, 0], [], []>, precision = #tpu.contract_precision<fp32>, transpose_lhs_hint = false} : vector<128x128xf32>, vector<1x128xf32>, vector<128x1xf32> -> vector<128x1xf32>
    %gt3A_242 = vector.broadcast %slice3A_239 : vector<1x128xf32> to vector<128x128xf32>
    %gt3A_243 = vector.broadcast %dot_general3A_241 : vector<128x1xf32> to vector<128x128xf32>
    %gt3A_244 = arith.cmpf ogt, %gt3A_242, %gt3A_243 : vector<128x128xf32>
    %eq3A_245 = vector.broadcast %slice3A_239 : vector<1x128xf32> to vector<128x128xf32>
    %eq3A_246 = vector.broadcast %dot_general3A_241 : vector<128x1xf32> to vector<128x128xf32>
    %eq3A_247 = arith.cmpf oeq, %eq3A_245, %eq3A_246 : vector<128x128xf32>
    %lt3A_248 = arith.cmpi slt, %iota3A_57, %iota3A_56 : vector<128x128xi32>
    %and3A_249 = arith.andi %eq3A_247, %lt3A_248 : vector<128x128xi1>
    %or3A_250 = arith.ori %gt3A_244, %and3A_249 : vector<128x128xi1>
    %jit3A_251 = arith.constant 1.000000e+00 : f32
    %jit3A_252 = arith.constant 0.000000e+00 : f32
    %broadcast_in_dim3A_253 = vector.broadcast %jit3A_251 : f32 to vector<128x128xf32>
    %broadcast_in_dim3A_254 = vector.broadcast %jit3A_252 : f32 to vector<128x128xf32>
    %select_n3A_255 = arith.select %or3A_250, %broadcast_in_dim3A_253, %broadcast_in_dim3A_254 : vector<128x128xi1>, vector<128x128xf32>
    %dot_general3A_256 = arith.constant dense<0.000000e+00> : vector<128x1xf32>
    %dot_general3A_257 = tpu.matmul %select_n3A_255, %broadcast_in_dim3A_55, %dot_general3A_256 {dimension_numbers = #tpu.dot_dimension_numbers<[1], [0], [0], [1], [0, 0, 1, 1], [], []>, precision = #tpu.contract_precision<fp32>, transpose_lhs_hint = false} : vector<128x128xf32>, vector<128x1xf32>, vector<128x1xf32> -> vector<128x1xf32>
    %eq3A_258 = arith.constant 6.300000e+01 : f32
    %eq3A_259 = vector.broadcast %eq3A_258 : f32 to vector<128x1xf32>
    %eq3A_260 = arith.cmpf oeq, %dot_general3A_257, %eq3A_259 : vector<128x1xf32>
    %jit3A_261 = arith.constant 0xFF800000 : f32
    %broadcast_in_dim3A_262 = vector.broadcast %jit3A_261 : f32 to vector<128x1xf32>
    %select_n3A_263 = arith.select %eq3A_260, %dot_general3A_241, %broadcast_in_dim3A_262 : vector<128x1xi1>, vector<128x1xf32>
    %slice3A_264 = vector.extract_strided_slice %select_n3A_263 {offsets = [0, 0], sizes = [64, 1], strides = [1, 1]} : vector<128x1xf32> to vector<64x1xf32>
    %slice3A_265 = vector.extract_strided_slice %select_n3A_263 {offsets = [64, 0], sizes = [64, 1], strides = [1, 1]} : vector<128x1xf32> to vector<64x1xf32>
    %max3A_266 = arith.maximumf %slice3A_264, %slice3A_265 : vector<64x1xf32>
    %slice3A_267 = vector.extract_strided_slice %max3A_266 {offsets = [0, 0], sizes = [32, 1], strides = [1, 1]} : vector<64x1xf32> to vector<32x1xf32>
    %slice3A_268 = vector.extract_strided_slice %max3A_266 {offsets = [32, 0], sizes = [32, 1], strides = [1, 1]} : vector<64x1xf32> to vector<32x1xf32>
    %max3A_269 = arith.maximumf %slice3A_267, %slice3A_268 : vector<32x1xf32>
    %slice3A_270 = vector.extract_strided_slice %max3A_269 {offsets = [0, 0], sizes = [16, 1], strides = [1, 1]} : vector<32x1xf32> to vector<16x1xf32>
    %slice3A_271 = vector.extract_strided_slice %max3A_269 {offsets = [16, 0], sizes = [16, 1], strides = [1, 1]} : vector<32x1xf32> to vector<16x1xf32>
    %max3A_272 = arith.maximumf %slice3A_270, %slice3A_271 : vector<16x1xf32>
    %slice3A_273 = vector.extract_strided_slice %max3A_272 {offsets = [0, 0], sizes = [8, 1], strides = [1, 1]} : vector<16x1xf32> to vector<8x1xf32>
    %slice3A_274 = vector.extract_strided_slice %max3A_272 {offsets = [8, 0], sizes = [8, 1], strides = [1, 1]} : vector<16x1xf32> to vector<8x1xf32>
    %max3A_275 = arith.maximumf %slice3A_273, %slice3A_274 : vector<8x1xf32>
    %roll3A_276 = arith.constant 4 : i32
    %roll3A_277 = tpu.dynamic_rotate %max3A_275 by %roll3A_276 dim 0 : vector<8x1xf32>, i32 -> vector<8x1xf32>
    %max3A_278 = arith.maximumf %max3A_275, %roll3A_277 : vector<8x1xf32>
    %roll3A_279 = arith.constant 2 : i32
    %roll3A_280 = tpu.dynamic_rotate %max3A_278 by %roll3A_279 dim 0 : vector<8x1xf32>, i32 -> vector<8x1xf32>
    %max3A_281 = arith.maximumf %max3A_278, %roll3A_280 : vector<8x1xf32>
    %roll3A_282 = arith.constant 1 : i32
    %roll3A_283 = tpu.dynamic_rotate %max3A_281 by %roll3A_282 dim 0 : vector<8x1xf32>, i32 -> vector<8x1xf32>
    %max3A_284 = arith.maximumf %max3A_281, %roll3A_283 : vector<8x1xf32>
    %slice3A_285 = vector.extract_strided_slice %max3A_284 {offsets = [0, 0], sizes = [1, 1], strides = [1, 1]} : vector<8x1xf32> to vector<1x1xf32>
    %ge3A_286 = vector.broadcast %slice3A_285 : vector<1x1xf32> to vector<64x128xf32>
    %ge3A_287 = arith.cmpf oge, %neg3A_217, %ge3A_286 : vector<64x128xf32>
    %jit3A_288 = arith.constant 1.000000e+00 : f32
    %jit3A_289 = arith.constant 0.000000e+00 : f32
    %broadcast_in_dim3A_290 = vector.broadcast %jit3A_288 : f32 to vector<64x128xf32>
    %broadcast_in_dim3A_291 = vector.broadcast %jit3A_289 : f32 to vector<64x128xf32>
    %select_n3A_292 = arith.select %ge3A_287, %broadcast_in_dim3A_290, %broadcast_in_dim3A_291 : vector<64x128xi1>, vector<64x128xf32>
    %dot_general3A_293 = arith.constant dense<0.000000e+00> : vector<64x1xf32>
    %dot_general3A_294 = tpu.matmul %select_n3A_292, %broadcast_in_dim3A_55, %dot_general3A_293 {dimension_numbers = #tpu.dot_dimension_numbers<[1], [0], [0], [1], [0, 0, 1, 1], [], []>, precision = #tpu.contract_precision<fp32>, transpose_lhs_hint = false} : vector<64x128xf32>, vector<128x1xf32>, vector<64x1xf32> -> vector<64x1xf32>
    %slice3A_295 = vector.extract_strided_slice %dot_general3A_294 {offsets = [0, 0], sizes = [32, 1], strides = [1, 1]} : vector<64x1xf32> to vector<32x1xf32>
    %slice3A_296 = vector.extract_strided_slice %dot_general3A_294 {offsets = [32, 0], sizes = [32, 1], strides = [1, 1]} : vector<64x1xf32> to vector<32x1xf32>
    %add3A_297 = arith.addf %slice3A_295, %slice3A_296 : vector<32x1xf32>
    %slice3A_298 = vector.extract_strided_slice %add3A_297 {offsets = [0, 0], sizes = [16, 1], strides = [1, 1]} : vector<32x1xf32> to vector<16x1xf32>
    %slice3A_299 = vector.extract_strided_slice %add3A_297 {offsets = [16, 0], sizes = [16, 1], strides = [1, 1]} : vector<32x1xf32> to vector<16x1xf32>
    %add3A_300 = arith.addf %slice3A_298, %slice3A_299 : vector<16x1xf32>
    %slice3A_301 = vector.extract_strided_slice %add3A_300 {offsets = [0, 0], sizes = [8, 1], strides = [1, 1]} : vector<16x1xf32> to vector<8x1xf32>
    %slice3A_302 = vector.extract_strided_slice %add3A_300 {offsets = [8, 0], sizes = [8, 1], strides = [1, 1]} : vector<16x1xf32> to vector<8x1xf32>
    %add3A_303 = arith.addf %slice3A_301, %slice3A_302 : vector<8x1xf32>
    %roll3A_304 = arith.constant 4 : i32
    %roll3A_305 = tpu.dynamic_rotate %add3A_303 by %roll3A_304 dim 0 : vector<8x1xf32>, i32 -> vector<8x1xf32>
    %add3A_306 = arith.addf %add3A_303, %roll3A_305 : vector<8x1xf32>
    %roll3A_307 = arith.constant 2 : i32
    %roll3A_308 = tpu.dynamic_rotate %add3A_306 by %roll3A_307 dim 0 : vector<8x1xf32>, i32 -> vector<8x1xf32>
    %add3A_309 = arith.addf %add3A_306, %roll3A_308 : vector<8x1xf32>
    %roll3A_310 = arith.constant 1 : i32
    %roll3A_311 = tpu.dynamic_rotate %add3A_309 by %roll3A_310 dim 0 : vector<8x1xf32>, i32 -> vector<8x1xf32>
    %add3A_312 = arith.addf %add3A_309, %roll3A_311 : vector<8x1xf32>
    %slice3A_313 = vector.extract_strided_slice %add3A_312 {offsets = [0, 0], sizes = [1, 1], strides = [1, 1]} : vector<8x1xf32> to vector<1x1xf32>
    %dot_general3A_314 = arith.constant dense<0.000000e+00> : vector<64x128xf32>
    %dot_general3A_315 = tpu.matmul %select_n3A_292, %select_n3A_45, %dot_general3A_314 {dimension_numbers = #tpu.dot_dimension_numbers<[1], [0], [0], [1], [0, 0, 1, 1], [], []>, precision = #tpu.contract_precision<fp32>, transpose_lhs_hint = false} : vector<64x128xf32>, vector<128x128xf32>, vector<64x128xf32> -> vector<64x128xf32>
    %dot_general3A_316 = arith.constant dense<0.000000e+00> : vector<64x1xf32>
    %dot_general3A_317 = tpu.matmul %select_n3A_53, %dot_general3A_294, %dot_general3A_316 {dimension_numbers = #tpu.dot_dimension_numbers<[1], [0], [0], [1], [0, 0, 1, 1], [], []>, precision = #tpu.contract_precision<fp32>, transpose_lhs_hint = false} : vector<64x64xf32>, vector<64x1xf32>, vector<64x1xf32> -> vector<64x1xf32>
    %add3A_318 = vector.broadcast %dot_general3A_317 : vector<64x1xf32> to vector<64x128xf32>
    %add3A_319 = arith.addf %add3A_318, %dot_general3A_315 : vector<64x128xf32>
    %jit3A_320 = arith.constant 3.000000e+02 : f32
    %broadcast_in_dim3A_321 = vector.broadcast %jit3A_320 : f32 to vector<64x128xf32>
    %select_n3A_322 = arith.select %ge3A_287, %add3A_319, %broadcast_in_dim3A_321 : vector<64x128xi1>, vector<64x128xf32>
    %reshape3A_323 = vector.shape_cast %select_n3A_322 : vector<64x128xf32> to vector<1x8192xf32>
    %eq3A_324 = vector.broadcast %reshape3A_323 : vector<1x8192xf32> to vector<128x8192xf32>
    %eq3A_325 = arith.cmpf oeq, %convert_element_type3A_63, %eq3A_324 : vector<128x8192xf32>
    %jit3A_326 = arith.constant 1.000000e+00 : f32
    %jit3A_327 = arith.constant 0.000000e+00 : f32
    %broadcast_in_dim3A_328 = vector.broadcast %jit3A_326 : f32 to vector<128x8192xf32>
    %broadcast_in_dim3A_329 = vector.broadcast %jit3A_327 : f32 to vector<128x8192xf32>
    %select_n3A_330 = arith.select %eq3A_325, %broadcast_in_dim3A_328, %broadcast_in_dim3A_329 : vector<128x8192xi1>, vector<128x8192xf32>
    %concatenate3A_331 = tpu.concatenate %neg3A_220, %convert_element_type3A_59, %broadcast_in_dim3A_61 in 0 : vector<1x8192xf32>, vector<1x8192xf32>, vector<1x8192xf32> -> vector<3x8192xf32>
    %dot_general3A_332 = arith.constant dense<0.000000e+00> : vector<128x3xf32>
    %dot_general3A_333 = tpu.matmul %select_n3A_330, %concatenate3A_331, %dot_general3A_332 {dimension_numbers = #tpu.dot_dimension_numbers<[1], [1], [0], [0], [0, 0, 1, 0], [], []>, precision = #tpu.contract_precision<fp32>, transpose_lhs_hint = false} : vector<128x8192xf32>, vector<3x8192xf32>, vector<128x3xf32> -> vector<128x3xf32>
    %slice3A_334 = vector.extract_strided_slice %dot_general3A_333 {offsets = [0, 2], sizes = [128, 1], strides = [1, 1]} : vector<128x3xf32> to vector<128x1xf32>
    %gt3A_335 = arith.constant 5.000000e-01 : f32
    %gt3A_336 = vector.broadcast %gt3A_335 : f32 to vector<128x1xf32>
    %gt3A_337 = arith.cmpf ogt, %slice3A_334, %gt3A_336 : vector<128x1xf32>
    %slice3A_338 = vector.extract_strided_slice %dot_general3A_333 {offsets = [0, 0], sizes = [128, 1], strides = [1, 1]} : vector<128x3xf32> to vector<128x1xf32>
    %jit3A_339 = arith.constant -1.000000e+09 : f32
    %broadcast_in_dim3A_340 = vector.broadcast %jit3A_339 : f32 to vector<128x1xf32>
    %select_n3A_341 = arith.select %gt3A_337, %slice3A_338, %broadcast_in_dim3A_340 : vector<128x1xi1>, vector<128x1xf32>
    %gt3A_342 = arith.constant 5.000000e-01 : f32
    %gt3A_343 = vector.broadcast %gt3A_342 : f32 to vector<128x1xf32>
    %gt3A_344 = arith.cmpf ogt, %slice3A_334, %gt3A_343 : vector<128x1xf32>
    %slice3A_345 = vector.extract_strided_slice %dot_general3A_333 {offsets = [0, 1], sizes = [128, 1], strides = [1, 1]} : vector<128x3xf32> to vector<128x1xf32>
    %jit3A_346 = arith.constant 1.000000e+09 : f32
    %broadcast_in_dim3A_347 = vector.broadcast %jit3A_346 : f32 to vector<128x1xf32>
    %select_n3A_348 = arith.select %gt3A_344, %slice3A_345, %broadcast_in_dim3A_347 : vector<128x1xi1>, vector<128x1xf32>
    %dot_general3A_349 = arith.constant dense<0.000000e+00> : vector<1x128xf32>
    %dot_general3A_350 = tpu.matmul %select_n3A_341, %select_n3A_38, %dot_general3A_349 {dimension_numbers = #tpu.dot_dimension_numbers<[0], [0], [1], [1], [0, 1, 1, 1], [], []>, precision = #tpu.contract_precision<fp32>, transpose_lhs_hint = false} : vector<128x1xf32>, vector<128x128xf32>, vector<1x128xf32> -> vector<1x128xf32>
    %dot_general3A_351 = arith.constant dense<0.000000e+00> : vector<1x128xf32>
    %dot_general3A_352 = tpu.matmul %select_n3A_348, %select_n3A_38, %dot_general3A_351 {dimension_numbers = #tpu.dot_dimension_numbers<[0], [0], [1], [1], [0, 1, 1, 1], [], []>, precision = #tpu.contract_precision<fp32>, transpose_lhs_hint = false} : vector<128x1xf32>, vector<128x128xf32>, vector<1x128xf32> -> vector<1x128xf32>
    %gt3A_353 = vector.broadcast %dot_general3A_350 : vector<1x128xf32> to vector<128x128xf32>
    %gt3A_354 = vector.broadcast %select_n3A_341 : vector<128x1xf32> to vector<128x128xf32>
    %gt3A_355 = arith.cmpf ogt, %gt3A_353, %gt3A_354 : vector<128x128xf32>
    %eq3A_356 = vector.broadcast %dot_general3A_350 : vector<1x128xf32> to vector<128x128xf32>
    %eq3A_357 = vector.broadcast %select_n3A_341 : vector<128x1xf32> to vector<128x128xf32>
    %eq3A_358 = arith.cmpf oeq, %eq3A_356, %eq3A_357 : vector<128x128xf32>
    %lt3A_359 = vector.broadcast %dot_general3A_352 : vector<1x128xf32> to vector<128x128xf32>
    %lt3A_360 = vector.broadcast %select_n3A_348 : vector<128x1xf32> to vector<128x128xf32>
    %lt3A_361 = arith.cmpf olt, %lt3A_359, %lt3A_360 : vector<128x128xf32>
    %and3A_362 = arith.andi %eq3A_358, %lt3A_361 : vector<128x128xi1>
    %or3A_363 = arith.ori %gt3A_355, %and3A_362 : vector<128x128xi1>
    %jit3A_364 = arith.constant 1.000000e+00 : f32
    %jit3A_365 = arith.constant 0.000000e+00 : f32
    %broadcast_in_dim3A_366 = vector.broadcast %jit3A_364 : f32 to vector<128x128xf32>
    %broadcast_in_dim3A_367 = vector.broadcast %jit3A_365 : f32 to vector<128x128xf32>
    %select_n3A_368 = arith.select %or3A_363, %broadcast_in_dim3A_366, %broadcast_in_dim3A_367 : vector<128x128xi1>, vector<128x128xf32>
    %dot_general3A_369 = arith.constant dense<0.000000e+00> : vector<128x1xf32>
    %dot_general3A_370 = tpu.matmul %select_n3A_368, %broadcast_in_dim3A_55, %dot_general3A_369 {dimension_numbers = #tpu.dot_dimension_numbers<[1], [0], [0], [1], [0, 0, 1, 1], [], []>, precision = #tpu.contract_precision<fp32>, transpose_lhs_hint = false} : vector<128x128xf32>, vector<128x1xf32>, vector<128x1xf32> -> vector<128x1xf32>
    %eq3A_371 = vector.broadcast %dot_general3A_370 : vector<128x1xf32> to vector<128x64xf32>
    %eq3A_372 = vector.broadcast %convert_element_type3A_28 : vector<1x64xf32> to vector<128x64xf32>
    %eq3A_373 = arith.cmpf oeq, %eq3A_371, %eq3A_372 : vector<128x64xf32>
    %jit3A_374 = arith.constant 1.000000e+00 : f32
    %jit3A_375 = arith.constant 0.000000e+00 : f32
    %broadcast_in_dim3A_376 = vector.broadcast %jit3A_374 : f32 to vector<128x64xf32>
    %broadcast_in_dim3A_377 = vector.broadcast %jit3A_375 : f32 to vector<128x64xf32>
    %select_n3A_378 = arith.select %eq3A_373, %broadcast_in_dim3A_376, %broadcast_in_dim3A_377 : vector<128x64xi1>, vector<128x64xf32>
    %dot_general3A_379 = arith.constant dense<0.000000e+00> : vector<1x64xf32>
    %dot_general3A_380 = tpu.matmul %dot_general3A_352, %select_n3A_378, %dot_general3A_379 {dimension_numbers = #tpu.dot_dimension_numbers<[1], [0], [0], [1], [0, 0, 1, 1], [], []>, precision = #tpu.contract_precision<fp32>, transpose_lhs_hint = false} : vector<1x128xf32>, vector<128x64xf32>, vector<1x64xf32> -> vector<1x64xf32>
    %reduce_max3A = vector.shape_cast %slice3A_149 : vector<1x1xf32> to vector<1x1x1xf32>
    %reduce_max3A_381 = arith.constant dense<0xFF800000> : vector<1xf32>
    %reduce_max3A_382 = vector.multi_reduction <maximumf>, %reduce_max3A, %reduce_max3A_381 [1, 2] : vector<1x1x1xf32> to vector<1xf32>
    %reduce_max3A_383 = vector.shape_cast %reduce_max3A_382 : vector<1xf32> to vector<1x1x1xf32>
    %reduce_max3A_384 = vector.extract %reduce_max3A_383[0, 0, 0] : f32 from vector<1x1x1xf32>
    %le3A = arith.constant 1.280000e+02 : f32
    %le3A_385 = arith.cmpf ole, %reduce_max3A_384, %le3A : f32
    %reduce_max3A_386 = vector.shape_cast %slice3A_313 : vector<1x1xf32> to vector<1x1x1xf32>
    %reduce_max3A_387 = arith.constant dense<0xFF800000> : vector<1xf32>
    %reduce_max3A_388 = vector.multi_reduction <maximumf>, %reduce_max3A_386, %reduce_max3A_387 [1, 2] : vector<1x1x1xf32> to vector<1xf32>
    %reduce_max3A_389 = vector.shape_cast %reduce_max3A_388 : vector<1xf32> to vector<1x1x1xf32>
    %reduce_max3A_390 = vector.extract %reduce_max3A_389[0, 0, 0] : f32 from vector<1x1x1xf32>
    %le3A_391 = arith.constant 1.280000e+02 : f32
    %le3A_392 = arith.cmpf ole, %reduce_max3A_390, %le3A_391 : f32
    %and3A_393 = arith.andi %le3A_385, %le3A_392 : i1
    %convert_element_type3A_394 = arith.extui %and3A_393 : i1 to i32
    %cond3A = arith.constant 0 : i32
    %cond3A_395 = arith.cmpi ne, %convert_element_type3A_394, %cond3A : i32
    scf.if %cond3A_395 {
      %convert_element_type3A_400 = arith.fptosi %dot_general3A_215 : vector<1x64xf32> to vector<1x64xi32>
      %reshape3A_401 = vector.shape_cast %convert_element_type3A_400 : vector<1x64xi32> to vector<1x1x64xi32>
      %swap3A = arith.constant 0 : index
      %swap3A_402 = arith.constant 0 : index
      %swap3A_403 = arith.constant 0 : index
      %swap3A_404 = vector.load %arg3[%swap3A, %swap3A_402, %swap3A_403] : memref<1x1x64xi32, #tpu.memory_space<vmem>>, vector<1x1x64xi32>
      tpu.vector_store %arg3[%swap3A, %swap3A_402, %swap3A_403], %reshape3A_401 {strides = array<i32>} : memref<1x1x64xi32, #tpu.memory_space<vmem>>, vector<1x1x64xi32>,
      %convert_element_type3A_405 = arith.fptosi %dot_general3A_380 : vector<1x64xf32> to vector<1x64xi32>
      %reshape3A_406 = vector.shape_cast %convert_element_type3A_405 : vector<1x64xi32> to vector<1x1x64xi32>
      %swap3A_407 = arith.constant 0 : index
      %swap3A_408 = arith.constant 0 : index
      %swap3A_409 = arith.constant 0 : index
      %swap3A_410 = vector.load %arg4[%swap3A_407, %swap3A_408, %swap3A_409] : memref<1x1x64xi32, #tpu.memory_space<vmem>>, vector<1x1x64xi32>
      tpu.vector_store %arg4[%swap3A_407, %swap3A_408, %swap3A_409], %reshape3A_406 {strides = array<i32>} : memref<1x1x64xi32, #tpu.memory_space<vmem>>, vector<1x1x64xi32>,
    } else {
    }
    %not3A = arith.constant true
    %not3A_396 = arith.xori %and3A_393, %not3A : i1
    %convert_element_type3A_397 = arith.extui %not3A_396 : i1 to i32
    %cond3A_398 = arith.constant 0 : i32
    %cond3A_399 = arith.cmpi ne, %convert_element_type3A_397, %cond3A_398 : i32
    scf.if %cond3A_399 {
      %broadcast_in_dim3A_400 = arith.constant 0 : i32
      %broadcast_in_dim3A_401 = vector.broadcast %broadcast_in_dim3A_400 : i32 to vector<1x64xi32>
      %scan3A = arith.constant 0 : i32
      %scan3A_402 = arith.constant 64 : i32
      %scan3A_403 = arith.addi %scan3A, %scan3A_402 : i32
      %scan3A_404 = arith.constant 1 : i32
      %scan3A_405:2 = scf.for %scan3A_427 = %scan3A to %scan3A_403 step %scan3A_404 iter_args(%scan3A_428 = %reshape3A, %scan3A_429 = %broadcast_in_dim3A_401) -> (vector<64x128xf32>, vector<1x64xi32>)  : i32 {
        %slice3A_430 = vector.extract_strided_slice %scan3A_428 {offsets = [0, 0], sizes = [32, 128], strides = [1, 1]} : vector<64x128xf32> to vector<32x128xf32>
        %slice3A_431 = vector.extract_strided_slice %scan3A_428 {offsets = [32, 0], sizes = [32, 128], strides = [1, 1]} : vector<64x128xf32> to vector<32x128xf32>
        %max3A_432 = arith.maximumf %slice3A_430, %slice3A_431 : vector<32x128xf32>
        %slice3A_433 = vector.extract_strided_slice %max3A_432 {offsets = [0, 0], sizes = [16, 128], strides = [1, 1]} : vector<32x128xf32> to vector<16x128xf32>
        %slice3A_434 = vector.extract_strided_slice %max3A_432 {offsets = [16, 0], sizes = [16, 128], strides = [1, 1]} : vector<32x128xf32> to vector<16x128xf32>
        %max3A_435 = arith.maximumf %slice3A_433, %slice3A_434 : vector<16x128xf32>
        %slice3A_436 = vector.extract_strided_slice %max3A_435 {offsets = [0, 0], sizes = [8, 128], strides = [1, 1]} : vector<16x128xf32> to vector<8x128xf32>
        %slice3A_437 = vector.extract_strided_slice %max3A_435 {offsets = [8, 0], sizes = [8, 128], strides = [1, 1]} : vector<16x128xf32> to vector<8x128xf32>
        %max3A_438 = arith.maximumf %slice3A_436, %slice3A_437 : vector<8x128xf32>
        %roll3A_439 = arith.constant 4 : i32
        %roll3A_440 = tpu.dynamic_rotate %max3A_438 by %roll3A_439 dim 0 : vector<8x128xf32>, i32 -> vector<8x128xf32>
        %max3A_441 = arith.maximumf %max3A_438, %roll3A_440 : vector<8x128xf32>
        %roll3A_442 = arith.constant 2 : i32
        %roll3A_443 = tpu.dynamic_rotate %max3A_441 by %roll3A_442 dim 0 : vector<8x128xf32>, i32 -> vector<8x128xf32>
        %max3A_444 = arith.maximumf %max3A_441, %roll3A_443 : vector<8x128xf32>
        %roll3A_445 = arith.constant 1 : i32
        %roll3A_446 = tpu.dynamic_rotate %max3A_444 by %roll3A_445 dim 0 : vector<8x128xf32>, i32 -> vector<8x128xf32>
        %max3A_447 = arith.maximumf %max3A_444, %roll3A_446 : vector<8x128xf32>
        %slice3A_448 = vector.extract_strided_slice %max3A_447 {offsets = [0, 0], sizes = [1, 128], strides = [1, 1]} : vector<8x128xf32> to vector<1x128xf32>
        %roll3A_449 = arith.constant 64 : i32
        %roll3A_450 = tpu.dynamic_rotate %slice3A_448 by %roll3A_449 dim 1 : vector<1x128xf32>, i32 -> vector<1x128xf32>
        %max3A_451 = arith.maximumf %slice3A_448, %roll3A_450 : vector<1x128xf32>
        %roll3A_452 = arith.constant 32 : i32
        %roll3A_453 = tpu.dynamic_rotate %max3A_451 by %roll3A_452 dim 1 : vector<1x128xf32>, i32 -> vector<1x128xf32>
        %max3A_454 = arith.maximumf %max3A_451, %roll3A_453 : vector<1x128xf32>
        %roll3A_455 = arith.constant 16 : i32
        %roll3A_456 = tpu.dynamic_rotate %max3A_454 by %roll3A_455 dim 1 : vector<1x128xf32>, i32 -> vector<1x128xf32>
        %max3A_457 = arith.maximumf %max3A_454, %roll3A_456 : vector<1x128xf32>
        %roll3A_458 = arith.constant 8 : i32
        %roll3A_459 = tpu.dynamic_rotate %max3A_457 by %roll3A_458 dim 1 : vector<1x128xf32>, i32 -> vector<1x128xf32>
        %max3A_460 = arith.maximumf %max3A_457, %roll3A_459 : vector<1x128xf32>
        %roll3A_461 = arith.constant 4 : i32
        %roll3A_462 = tpu.dynamic_rotate %max3A_460 by %roll3A_461 dim 1 : vector<1x128xf32>, i32 -> vector<1x128xf32>
        %max3A_463 = arith.maximumf %max3A_460, %roll3A_462 : vector<1x128xf32>
        %roll3A_464 = arith.constant 2 : i32
        %roll3A_465 = tpu.dynamic_rotate %max3A_463 by %roll3A_464 dim 1 : vector<1x128xf32>, i32 -> vector<1x128xf32>
        %max3A_466 = arith.maximumf %max3A_463, %roll3A_465 : vector<1x128xf32>
        %roll3A_467 = arith.constant 1 : i32
        %roll3A_468 = tpu.dynamic_rotate %max3A_466 by %roll3A_467 dim 1 : vector<1x128xf32>, i32 -> vector<1x128xf32>
        %max3A_469 = arith.maximumf %max3A_466, %roll3A_468 : vector<1x128xf32>
        %eq3A_470 = vector.broadcast %max3A_469 : vector<1x128xf32> to vector<64x128xf32>
        %eq3A_471 = arith.cmpf oeq, %scan3A_428, %eq3A_470 : vector<64x128xf32>
        %select_n3A_472 = arith.select %eq3A_471, %add3A_26, %broadcast_in_dim3A_30 : vector<64x128xi1>, vector<64x128xi32>
        %slice3A_473 = vector.extract_strided_slice %select_n3A_472 {offsets = [0, 0], sizes = [32, 128], strides = [1, 1]} : vector<64x128xi32> to vector<32x128xi32>
        %slice3A_474 = vector.extract_strided_slice %select_n3A_472 {offsets = [32, 0], sizes = [32, 128], strides = [1, 1]} : vector<64x128xi32> to vector<32x128xi32>
        %min3A = arith.minsi %slice3A_473, %slice3A_474 : vector<32x128xi32>
        %slice3A_475 = vector.extract_strided_slice %min3A {offsets = [0, 0], sizes = [16, 128], strides = [1, 1]} : vector<32x128xi32> to vector<16x128xi32>
        %slice3A_476 = vector.extract_strided_slice %min3A {offsets = [16, 0], sizes = [16, 128], strides = [1, 1]} : vector<32x128xi32> to vector<16x128xi32>
        %min3A_477 = arith.minsi %slice3A_475, %slice3A_476 : vector<16x128xi32>
        %slice3A_478 = vector.extract_strided_slice %min3A_477 {offsets = [0, 0], sizes = [8, 128], strides = [1, 1]} : vector<16x128xi32> to vector<8x128xi32>
        %slice3A_479 = vector.extract_strided_slice %min3A_477 {offsets = [8, 0], sizes = [8, 128], strides = [1, 1]} : vector<16x128xi32> to vector<8x128xi32>
        %min3A_480 = arith.minsi %slice3A_478, %slice3A_479 : vector<8x128xi32>
        %roll3A_481 = arith.constant 4 : i32
        %roll3A_482 = tpu.dynamic_rotate %min3A_480 by %roll3A_481 dim 0 : vector<8x128xi32>, i32 -> vector<8x128xi32>
        %min3A_483 = arith.minsi %min3A_480, %roll3A_482 : vector<8x128xi32>
        %roll3A_484 = arith.constant 2 : i32
        %roll3A_485 = tpu.dynamic_rotate %min3A_483 by %roll3A_484 dim 0 : vector<8x128xi32>, i32 -> vector<8x128xi32>
        %min3A_486 = arith.minsi %min3A_483, %roll3A_485 : vector<8x128xi32>
        %roll3A_487 = arith.constant 1 : i32
        %roll3A_488 = tpu.dynamic_rotate %min3A_486 by %roll3A_487 dim 0 : vector<8x128xi32>, i32 -> vector<8x128xi32>
        %min3A_489 = arith.minsi %min3A_486, %roll3A_488 : vector<8x128xi32>
        %slice3A_490 = vector.extract_strided_slice %min3A_489 {offsets = [0, 0], sizes = [1, 128], strides = [1, 1]} : vector<8x128xi32> to vector<1x128xi32>
        %roll3A_491 = arith.constant 64 : i32
        %roll3A_492 = tpu.dynamic_rotate %slice3A_490 by %roll3A_491 dim 1 : vector<1x128xi32>, i32 -> vector<1x128xi32>
        %min3A_493 = arith.minsi %slice3A_490, %roll3A_492 : vector<1x128xi32>
        %roll3A_494 = arith.constant 32 : i32
        %roll3A_495 = tpu.dynamic_rotate %min3A_493 by %roll3A_494 dim 1 : vector<1x128xi32>, i32 -> vector<1x128xi32>
        %min3A_496 = arith.minsi %min3A_493, %roll3A_495 : vector<1x128xi32>
        %roll3A_497 = arith.constant 16 : i32
        %roll3A_498 = tpu.dynamic_rotate %min3A_496 by %roll3A_497 dim 1 : vector<1x128xi32>, i32 -> vector<1x128xi32>
        %min3A_499 = arith.minsi %min3A_496, %roll3A_498 : vector<1x128xi32>
        %roll3A_500 = arith.constant 8 : i32
        %roll3A_501 = tpu.dynamic_rotate %min3A_499 by %roll3A_500 dim 1 : vector<1x128xi32>, i32 -> vector<1x128xi32>
        %min3A_502 = arith.minsi %min3A_499, %roll3A_501 : vector<1x128xi32>
        %roll3A_503 = arith.constant 4 : i32
        %roll3A_504 = tpu.dynamic_rotate %min3A_502 by %roll3A_503 dim 1 : vector<1x128xi32>, i32 -> vector<1x128xi32>
        %min3A_505 = arith.minsi %min3A_502, %roll3A_504 : vector<1x128xi32>
        %roll3A_506 = arith.constant 2 : i32
        %roll3A_507 = tpu.dynamic_rotate %min3A_505 by %roll3A_506 dim 1 : vector<1x128xi32>, i32 -> vector<1x128xi32>
        %min3A_508 = arith.minsi %min3A_505, %roll3A_507 : vector<1x128xi32>
        %roll3A_509 = arith.constant 1 : i32
        %roll3A_510 = tpu.dynamic_rotate %min3A_508 by %roll3A_509 dim 1 : vector<1x128xi32>, i32 -> vector<1x128xi32>
        %min3A_511 = arith.minsi %min3A_508, %roll3A_510 : vector<1x128xi32>
        %eq3A_512 = vector.broadcast %min3A_511 : vector<1x128xi32> to vector<64x128xi32>
        %eq3A_513 = arith.cmpi eq, %add3A_26, %eq3A_512 : vector<64x128xi32>
        %jit3A_514 = arith.constant 0xFF800000 : f32
        %broadcast_in_dim3A_515 = vector.broadcast %jit3A_514 : f32 to vector<64x128xf32>
        %select_n3A_516 = arith.select %eq3A_513, %broadcast_in_dim3A_515, %scan3A_428 : vector<64x128xi1>, vector<64x128xf32>
        %slice3A_517 = vector.extract_strided_slice %min3A_511 {offsets = [0, 0], sizes = [1, 64], strides = [1, 1]} : vector<1x128xi32> to vector<1x64xi32>
        %eq3A_518 = vector.broadcast %scan3A_427 : i32 to vector<1x64xi32>
        %eq3A_519 = arith.cmpi eq, %iota3A_27, %eq3A_518 : vector<1x64xi32>
        %select_n3A_520 = arith.select %eq3A_519, %slice3A_517, %scan3A_429 : vector<1x64xi1>, vector<1x64xi32>
        scf.yield %select_n3A_516, %select_n3A_520 : vector<64x128xf32>, vector<1x64xi32>
      }
      %scan3A_406 = arith.constant 64 : i32
      %reshape3A_407 = vector.shape_cast %scan3A_405#1 : vector<1x64xi32> to vector<1x1x64xi32>
      %swap3A = arith.constant 0 : index
      %swap3A_408 = arith.constant 0 : index
      %swap3A_409 = arith.constant 0 : index
      %swap3A_410 = vector.load %arg3[%swap3A, %swap3A_408, %swap3A_409] : memref<1x1x64xi32, #tpu.memory_space<vmem>>, vector<1x1x64xi32>
      tpu.vector_store %arg3[%swap3A, %swap3A_408, %swap3A_409], %reshape3A_407 {strides = array<i32>} : memref<1x1x64xi32, #tpu.memory_space<vmem>>, vector<1x1x64xi32>,
      %neg3A_411 = arith.constant 0.000000e+00 : f32
      %neg3A_412 = vector.broadcast %neg3A_411 : f32 to vector<64x128xf32>
      %neg3A_413 = arith.subf %neg3A_412, %reshape3A : vector<64x128xf32>
      %broadcast_in_dim3A_414 = arith.constant 0 : i32
      %broadcast_in_dim3A_415 = vector.broadcast %broadcast_in_dim3A_414 : i32 to vector<1x64xi32>
      %scan3A_416 = arith.constant 0 : i32
      %scan3A_417 = arith.constant 64 : i32
      %scan3A_418 = arith.addi %scan3A_416, %scan3A_417 : i32
      %scan3A_419 = arith.constant 1 : i32
      %scan3A_420:2 = scf.for %scan3A_427 = %scan3A_416 to %scan3A_418 step %scan3A_419 iter_args(%scan3A_428 = %neg3A_413, %scan3A_429 = %broadcast_in_dim3A_415) -> (vector<64x128xf32>, vector<1x64xi32>)  : i32 {
        %slice3A_430 = vector.extract_strided_slice %scan3A_428 {offsets = [0, 0], sizes = [32, 128], strides = [1, 1]} : vector<64x128xf32> to vector<32x128xf32>
        %slice3A_431 = vector.extract_strided_slice %scan3A_428 {offsets = [32, 0], sizes = [32, 128], strides = [1, 1]} : vector<64x128xf32> to vector<32x128xf32>
        %max3A_432 = arith.maximumf %slice3A_430, %slice3A_431 : vector<32x128xf32>
        %slice3A_433 = vector.extract_strided_slice %max3A_432 {offsets = [0, 0], sizes = [16, 128], strides = [1, 1]} : vector<32x128xf32> to vector<16x128xf32>
        %slice3A_434 = vector.extract_strided_slice %max3A_432 {offsets = [16, 0], sizes = [16, 128], strides = [1, 1]} : vector<32x128xf32> to vector<16x128xf32>
        %max3A_435 = arith.maximumf %slice3A_433, %slice3A_434 : vector<16x128xf32>
        %slice3A_436 = vector.extract_strided_slice %max3A_435 {offsets = [0, 0], sizes = [8, 128], strides = [1, 1]} : vector<16x128xf32> to vector<8x128xf32>
        %slice3A_437 = vector.extract_strided_slice %max3A_435 {offsets = [8, 0], sizes = [8, 128], strides = [1, 1]} : vector<16x128xf32> to vector<8x128xf32>
        %max3A_438 = arith.maximumf %slice3A_436, %slice3A_437 : vector<8x128xf32>
        %roll3A_439 = arith.constant 4 : i32
        %roll3A_440 = tpu.dynamic_rotate %max3A_438 by %roll3A_439 dim 0 : vector<8x128xf32>, i32 -> vector<8x128xf32>
        %max3A_441 = arith.maximumf %max3A_438, %roll3A_440 : vector<8x128xf32>
        %roll3A_442 = arith.constant 2 : i32
        %roll3A_443 = tpu.dynamic_rotate %max3A_441 by %roll3A_442 dim 0 : vector<8x128xf32>, i32 -> vector<8x128xf32>
        %max3A_444 = arith.maximumf %max3A_441, %roll3A_443 : vector<8x128xf32>
        %roll3A_445 = arith.constant 1 : i32
        %roll3A_446 = tpu.dynamic_rotate %max3A_444 by %roll3A_445 dim 0 : vector<8x128xf32>, i32 -> vector<8x128xf32>
        %max3A_447 = arith.maximumf %max3A_444, %roll3A_446 : vector<8x128xf32>
        %slice3A_448 = vector.extract_strided_slice %max3A_447 {offsets = [0, 0], sizes = [1, 128], strides = [1, 1]} : vector<8x128xf32> to vector<1x128xf32>
        %roll3A_449 = arith.constant 64 : i32
        %roll3A_450 = tpu.dynamic_rotate %slice3A_448 by %roll3A_449 dim 1 : vector<1x128xf32>, i32 -> vector<1x128xf32>
        %max3A_451 = arith.maximumf %slice3A_448, %roll3A_450 : vector<1x128xf32>
        %roll3A_452 = arith.constant 32 : i32
        %roll3A_453 = tpu.dynamic_rotate %max3A_451 by %roll3A_452 dim 1 : vector<1x128xf32>, i32 -> vector<1x128xf32>
        %max3A_454 = arith.maximumf %max3A_451, %roll3A_453 : vector<1x128xf32>
        %roll3A_455 = arith.constant 16 : i32
        %roll3A_456 = tpu.dynamic_rotate %max3A_454 by %roll3A_455 dim 1 : vector<1x128xf32>, i32 -> vector<1x128xf32>
        %max3A_457 = arith.maximumf %max3A_454, %roll3A_456 : vector<1x128xf32>
        %roll3A_458 = arith.constant 8 : i32
        %roll3A_459 = tpu.dynamic_rotate %max3A_457 by %roll3A_458 dim 1 : vector<1x128xf32>, i32 -> vector<1x128xf32>
        %max3A_460 = arith.maximumf %max3A_457, %roll3A_459 : vector<1x128xf32>
        %roll3A_461 = arith.constant 4 : i32
        %roll3A_462 = tpu.dynamic_rotate %max3A_460 by %roll3A_461 dim 1 : vector<1x128xf32>, i32 -> vector<1x128xf32>
        %max3A_463 = arith.maximumf %max3A_460, %roll3A_462 : vector<1x128xf32>
        %roll3A_464 = arith.constant 2 : i32
        %roll3A_465 = tpu.dynamic_rotate %max3A_463 by %roll3A_464 dim 1 : vector<1x128xf32>, i32 -> vector<1x128xf32>
        %max3A_466 = arith.maximumf %max3A_463, %roll3A_465 : vector<1x128xf32>
        %roll3A_467 = arith.constant 1 : i32
        %roll3A_468 = tpu.dynamic_rotate %max3A_466 by %roll3A_467 dim 1 : vector<1x128xf32>, i32 -> vector<1x128xf32>
        %max3A_469 = arith.maximumf %max3A_466, %roll3A_468 : vector<1x128xf32>
        %eq3A_470 = vector.broadcast %max3A_469 : vector<1x128xf32> to vector<64x128xf32>
        %eq3A_471 = arith.cmpf oeq, %scan3A_428, %eq3A_470 : vector<64x128xf32>
        %select_n3A_472 = arith.select %eq3A_471, %add3A_26, %broadcast_in_dim3A_30 : vector<64x128xi1>, vector<64x128xi32>
        %slice3A_473 = vector.extract_strided_slice %select_n3A_472 {offsets = [0, 0], sizes = [32, 128], strides = [1, 1]} : vector<64x128xi32> to vector<32x128xi32>
        %slice3A_474 = vector.extract_strided_slice %select_n3A_472 {offsets = [32, 0], sizes = [32, 128], strides = [1, 1]} : vector<64x128xi32> to vector<32x128xi32>
        %min3A = arith.minsi %slice3A_473, %slice3A_474 : vector<32x128xi32>
        %slice3A_475 = vector.extract_strided_slice %min3A {offsets = [0, 0], sizes = [16, 128], strides = [1, 1]} : vector<32x128xi32> to vector<16x128xi32>
        %slice3A_476 = vector.extract_strided_slice %min3A {offsets = [16, 0], sizes = [16, 128], strides = [1, 1]} : vector<32x128xi32> to vector<16x128xi32>
        %min3A_477 = arith.minsi %slice3A_475, %slice3A_476 : vector<16x128xi32>
        %slice3A_478 = vector.extract_strided_slice %min3A_477 {offsets = [0, 0], sizes = [8, 128], strides = [1, 1]} : vector<16x128xi32> to vector<8x128xi32>
        %slice3A_479 = vector.extract_strided_slice %min3A_477 {offsets = [8, 0], sizes = [8, 128], strides = [1, 1]} : vector<16x128xi32> to vector<8x128xi32>
        %min3A_480 = arith.minsi %slice3A_478, %slice3A_479 : vector<8x128xi32>
        %roll3A_481 = arith.constant 4 : i32
        %roll3A_482 = tpu.dynamic_rotate %min3A_480 by %roll3A_481 dim 0 : vector<8x128xi32>, i32 -> vector<8x128xi32>
        %min3A_483 = arith.minsi %min3A_480, %roll3A_482 : vector<8x128xi32>
        %roll3A_484 = arith.constant 2 : i32
        %roll3A_485 = tpu.dynamic_rotate %min3A_483 by %roll3A_484 dim 0 : vector<8x128xi32>, i32 -> vector<8x128xi32>
        %min3A_486 = arith.minsi %min3A_483, %roll3A_485 : vector<8x128xi32>
        %roll3A_487 = arith.constant 1 : i32
        %roll3A_488 = tpu.dynamic_rotate %min3A_486 by %roll3A_487 dim 0 : vector<8x128xi32>, i32 -> vector<8x128xi32>
        %min3A_489 = arith.minsi %min3A_486, %roll3A_488 : vector<8x128xi32>
        %slice3A_490 = vector.extract_strided_slice %min3A_489 {offsets = [0, 0], sizes = [1, 128], strides = [1, 1]} : vector<8x128xi32> to vector<1x128xi32>
        %roll3A_491 = arith.constant 64 : i32
        %roll3A_492 = tpu.dynamic_rotate %slice3A_490 by %roll3A_491 dim 1 : vector<1x128xi32>, i32 -> vector<1x128xi32>
        %min3A_493 = arith.minsi %slice3A_490, %roll3A_492 : vector<1x128xi32>
        %roll3A_494 = arith.constant 32 : i32
        %roll3A_495 = tpu.dynamic_rotate %min3A_493 by %roll3A_494 dim 1 : vector<1x128xi32>, i32 -> vector<1x128xi32>
        %min3A_496 = arith.minsi %min3A_493, %roll3A_495 : vector<1x128xi32>
        %roll3A_497 = arith.constant 16 : i32
        %roll3A_498 = tpu.dynamic_rotate %min3A_496 by %roll3A_497 dim 1 : vector<1x128xi32>, i32 -> vector<1x128xi32>
        %min3A_499 = arith.minsi %min3A_496, %roll3A_498 : vector<1x128xi32>
        %roll3A_500 = arith.constant 8 : i32
        %roll3A_501 = tpu.dynamic_rotate %min3A_499 by %roll3A_500 dim 1 : vector<1x128xi32>, i32 -> vector<1x128xi32>
        %min3A_502 = arith.minsi %min3A_499, %roll3A_501 : vector<1x128xi32>
        %roll3A_503 = arith.constant 4 : i32
        %roll3A_504 = tpu.dynamic_rotate %min3A_502 by %roll3A_503 dim 1 : vector<1x128xi32>, i32 -> vector<1x128xi32>
        %min3A_505 = arith.minsi %min3A_502, %roll3A_504 : vector<1x128xi32>
        %roll3A_506 = arith.constant 2 : i32
        %roll3A_507 = tpu.dynamic_rotate %min3A_505 by %roll3A_506 dim 1 : vector<1x128xi32>, i32 -> vector<1x128xi32>
        %min3A_508 = arith.minsi %min3A_505, %roll3A_507 : vector<1x128xi32>
        %roll3A_509 = arith.constant 1 : i32
        %roll3A_510 = tpu.dynamic_rotate %min3A_508 by %roll3A_509 dim 1 : vector<1x128xi32>, i32 -> vector<1x128xi32>
        %min3A_511 = arith.minsi %min3A_508, %roll3A_510 : vector<1x128xi32>
        %eq3A_512 = vector.broadcast %min3A_511 : vector<1x128xi32> to vector<64x128xi32>
        %eq3A_513 = arith.cmpi eq, %add3A_26, %eq3A_512 : vector<64x128xi32>
        %jit3A_514 = arith.constant 0xFF800000 : f32
        %broadcast_in_dim3A_515 = vector.broadcast %jit3A_514 : f32 to vector<64x128xf32>
        %select_n3A_516 = arith.select %eq3A_513, %broadcast_in_dim3A_515, %scan3A_428 : vector<64x128xi1>, vector<64x128xf32>
        %slice3A_517 = vector.extract_strided_slice %min3A_511 {offsets = [0, 0], sizes = [1, 64], strides = [1, 1]} : vector<1x128xi32> to vector<1x64xi32>
        %eq3A_518 = vector.broadcast %scan3A_427 : i32 to vector<1x64xi32>
        %eq3A_519 = arith.cmpi eq, %iota3A_27, %eq3A_518 : vector<1x64xi32>
        %select_n3A_520 = arith.select %eq3A_519, %slice3A_517, %scan3A_429 : vector<1x64xi1>, vector<1x64xi32>
        scf.yield %select_n3A_516, %select_n3A_520 : vector<64x128xf32>, vector<1x64xi32>
      }
      %scan3A_421 = arith.constant 64 : i32
      %reshape3A_422 = vector.shape_cast %scan3A_420#1 : vector<1x64xi32> to vector<1x1x64xi32>
      %swap3A_423 = arith.constant 0 : index
      %swap3A_424 = arith.constant 0 : index
      %swap3A_425 = arith.constant 0 : index
      %swap3A_426 = vector.load %arg4[%swap3A_423, %swap3A_424, %swap3A_425] : memref<1x1x64xi32, #tpu.memory_space<vmem>>, vector<1x1x64xi32>
      tpu.vector_store %arg4[%swap3A_423, %swap3A_424, %swap3A_425], %reshape3A_422 {strides = array<i32>} : memref<1x1x64xi32, #tpu.memory_space<vmem>>, vector<1x1x64xi32>,
    } else {
    }
    return
  }
  func.func @transform_0(%arg0: i32) -> (i32, i32, i32) {
    %c0_i32 = arith.constant 0 : i32
    %c0_i32_0 = arith.constant 0 : i32
    %c0_i32_1 = arith.constant 0 : i32
    return %arg0, %c0_i32, %c0_i32_0 : i32, i32, i32
  }
  func.func @transform_1(%arg0: i32) -> (i32, i32, i32) {
    %c0_i32 = arith.constant 0 : i32
    %c0_i32_0 = arith.constant 0 : i32
    %c0_i32_1 = arith.constant 0 : i32
    return %arg0, %c0_i32, %c0_i32_0 : i32, i32, i32
  }
  func.func @transform_2(%arg0: i32) -> (i32, i32, i32) {
    %c0_i32 = arith.constant 0 : i32
    %c0_i32_0 = arith.constant 0 : i32
    %c0_i32_1 = arith.constant 0 : i32
    return %arg0, %c0_i32, %c0_i32_0 : i32, i32, i32
  }
  func.func @transform_3(%arg0: i32) -> (i32, i32, i32) {
    %c0_i32 = arith.constant 0 : i32
    %c0_i32_0 = arith.constant 0 : i32
    %c0_i32_1 = arith.constant 0 : i32
    return %arg0, %c0_i32, %c0_i32_0 : i32, i32, i32
  }
}

</mosaic_0001>

<sc_bundles>
// kernel: kernel.4.cloned.1.call-start
scs
__scs_entry_jumppad:
0x0: {  	(pc) =	sbr.rel $0x88, $3  }
0x1: {  	(tag) =	ssettag $0x0;
	lr =	simm.s32 $0x1  }
0x2: {  	[smem:$0x3F9F] =	sst lr;
	_ =	strace $0xD0000000  }
0x3: {  	_ = 	snop  }
0x4: {  	_ = 	snop  }
0x5: {  	_ = 	snop  }
0x6: {  	_ = 	snop  }
0x7: {  	_ = 	snop  }
__scs_overlays_trampoline_lowered:
0x8: {  	[smem:$0x3FAE] =	sst s0  }
0x9: {  	[smem:$0x3FAF] =	sst s1  }
0xa: {  	[smem:$0x3FB0] =	sst s2  }
0xb: {  	[smem:$0x3FB1] =	sst s3  }
0xc: {  	[smem:$0x3FB2] =	sst s4  }
0xd: {  	[smem:$0x3FB3] =	sst s5  }
0xe: {  	[smem:$0x3FB4] =	sst s6  }
0xf: {  	[smem:$0x3FB5] =	sst s7  }
0x10: {  	[smem:$0x3FB6] =	sst s8  }
0x11: {  	[smem:$0x3FB7] =	sst s9;
	s0 =	simm.s32 @!p0 $0x0  }
0x12: {  	s1 =	sld [smem:$0x3F9D];
	s0 =	simm.s32 @p0 $0x1  }
0x13: {  	[smem:$0x3FB8] =	sst s0;
	s0 =	simm.s32 @!p1 $0x0  }
0x14: {  	s2 =	sld [smem:$0x3F9C];
	s0 =	simm.s32 @p1 $0x1  }
0x15: {  	[smem:$0x3FB9] =	sst s0;
	s0 =	simm.s32 @!p2 $0x0  }
0x16: {  	s3 =	sld [smem:$0x3FDB];
	s0 =	simm.s32 @p2 $0x1  }
0x17: {  	s4 =	simm.s32 $0x1BF5;
	[smem:$0x3FBB] =	sst s0  }
0x18: {  	s0 =	sld [smem:$0x3F9E];
	_ =	swait.ge [sflag:s4], $0x0  }
0x19: {  	s7 =	sld [smem:$0x3F9F]  }
0x1a: {  	s8 =	sadd.s32 $0xFFFFE003, lr  }
0x1b: {  	s9 =	sadd.s32 $0xFFFFFEF7, lr;
	s5 =	simm.s32 $0xFFFFFFFF;
	p2 =	slt.u32 s8, $0xFFFFF086  }
0x1c: {  	p1 =	slt.u32 s9, $0xF7A;
	s5 =	simm.s32 @!p2 $0x0  }
0x1d: {  	s5 =	simm.s32 @p1 $0x1;
	p0 =	seq.s32 s7, s2  }
0x1e: {  	s7 =	smul.u32 @!p0 $0xF7A, s2;
	p2 =	seq.s32 @!p0 s5, $0x0  }
0x1f: {  	s9 =	smul.u32 $0xF7A, s1;
	s8 =	simm.s32 @!p0 $0x1BF5;
	p2 =	por !p2, p0  }
0x20: {  	[sflag:s8] =	ssyncset.s32 @!p0 $0xFFFFF086;
	s6 =	sadd.s32 @!p0 s3, s7;
	s7 =	simm.s32 @!p0 $0x108  }
0x21: {  	s3 =	sadd.s32 s3, s9;
	s6 =	sadd.s32 @!p0 $0x88, s6;
	s7 =	simm.s32 @p2 $0x1082  }
0x22: {  	[simem:s7], [sflag:s8] =	dma.local @!p0 [hbm:s6], $0xF7A  }
0x23: {  	s9 =	sor.u32 $0xD0000000, s2;
	s6 =	simm.s32 $0x108;
	_ =	swait.ge @!p0 [sflag:s8], $0x0  }
0x24: {  	s3 =	sadd.s32 $0x88, s3;
	s6 =	simm.s32 @!p1 $0x1082;
	[sflag:s4] =	ssyncset.s32 $0xFFFFF086  }
0x25: {  	[simem:s6], [sflag:s4] =	dma.local [hbm:s3], $0xF7A  }
0x26: {  	[smem:$0x3F9F] =	sst s1;
	(tag) =	ssettag s2;
	_ =	strace s9  }
0x27: {  	s1 =	sld [smem:$0x3FAF]  }
0x28: {  	s2 =	sld [smem:$0x3FB0]  }
0x29: {  	s4 =	sld [smem:$0x3FB2]  }
0x2a: {  	p0 =	seq.s32 s5, $0x0;
	s5 =	sld [smem:$0x3FB3]  }
0x2b: {  	s6 =	sld [smem:$0x3FB4]  }
0x2c: {  	s7 =	sld [smem:$0x3FB5]  }
0x2d: {  	s3 =	simm.s32 $0x108;
	s8 =	sld [smem:$0x3FB6]  }
0x2e: {  	s3 =	simm.s32 @!p0 $0x1082;
	s9 =	sld [smem:$0x3FB7]  }
0x2f: {  	lr =	sadd.s32 s0, s3;
	s0 =	sld [smem:$0x3FAE]  }
0x30: {  	s3 =	sld [smem:$0x3FB1]  }
0x31: {  	[smem:$0x3FBA] =	sst s10  }
0x32: {  	s10 =	sld [smem:$0x3FB8];
	_ =	sdelay $0x3  }
0x33: {  	p0 =	seq.s32 s10, $0x1;
	s10 =	sld [smem:$0x3FBA];
	_ =	sdelay $0x3  }
0x34: {  	[smem:$0x3FBA] =	sst s10  }
0x35: {  	s10 =	sld [smem:$0x3FB9];
	_ =	sdelay $0x3  }
0x36: {  	p1 =	seq.s32 s10, $0x1;
	s10 =	sld [smem:$0x3FBA];
	_ =	sdelay $0x3  }
0x37: {  	[smem:$0x3FBA] =	sst s10  }
0x38: {  	s10 =	sld [smem:$0x3FBB]  }
0x39: {  	_ = 	snop;
	(pc) =	sbr.ind lr, $3  }
0x3a: {  	_ = 	snop  }
0x3b: {  	_ = 	snop  }
0x3c: {  	p2 =	seq.s32 s10, $0x1;
	s10 =	sld [smem:$0x3FBA]  }
0x3d: {  	_ =	shalt  }
0x3e: {  	_ =	shalt  }
0x3f: {  	_ =	shalt  }
0x40: {  	_ =	shalt  }
0x41: {  	_ =	shalt  }
0x42: {  	_ =	shalt  }
0x43: {  	_ =	shalt  }
0x44: {  	_ =	shalt  }
0x45: {  	_ =	shalt  }
0x46: {  	_ =	shalt  }
0x47: {  	_ =	shalt  }
0x48: {  	_ =	shalt  }
0x49: {  	_ =	shalt  }
0x4a: {  	_ =	shalt  }
0x4b: {  	_ =	shalt  }
0x4c: {  	_ =	shalt  }
0x4d: {  	_ =	shalt  }
0x4e: {  	_ =	shalt  }
0x4f: {  	_ =	shalt  }
0x50: {  	_ =	shalt  }
0x51: {  	_ =	shalt  }
0x52: {  	_ =	shalt  }
0x53: {  	_ =	shalt  }
0x54: {  	_ =	shalt  }
0x55: {  	_ =	shalt  }
0x56: {  	_ =	shalt  }
0x57: {  	_ =	shalt  }
0x58: {  	_ =	shalt  }
0x59: {  	_ =	shalt  }
0x5a: {  	_ =	shalt  }
0x5b: {  	_ =	shalt  }
0x5c: {  	_ =	shalt  }
0x5d: {  	_ =	shalt  }
0x5e: {  	_ =	shalt  }
0x5f: {  	_ =	shalt  }
0x60: {  	_ =	shalt  }
0x61: {  	_ =	shalt  }
0x62: {  	_ =	shalt  }
0x63: {  	_ =	shalt  }
0x64: {  	_ =	shalt  }
0x65: {  	_ =	shalt  }
0x66: {  	_ =	shalt  }
0x67: {  	_ =	shalt  }
0x68: {  	_ =	shalt  }
0x69: {  	_ =	shalt  }
0x6a: {  	_ =	shalt  }
0x6b: {  	_ =	shalt  }
0x6c: {  	_ =	shalt  }
0x6d: {  	_ =	shalt  }
0x6e: {  	_ =	shalt  }
0x6f: {  	_ =	shalt  }
0x70: {  	_ =	shalt  }
0x71: {  	_ =	shalt  }
0x72: {  	_ =	shalt  }
0x73: {  	_ =	shalt  }
0x74: {  	_ =	shalt  }
0x75: {  	_ =	shalt  }
0x76: {  	_ =	shalt  }
0x77: {  	_ =	shalt  }
0x78: {  	_ =	shalt  }
0x79: {  	_ =	shalt  }
0x7a: {  	_ =	shalt  }
0x7b: {  	_ =	shalt  }
0x7c: {  	_ =	shalt  }
0x7d: {  	_ =	shalt  }
0x7e: {  	_ =	shalt  }
0x7f: {  	_ =	shalt  }
0x80: {  	_ =	shalt  }
0x81: {  	_ =	shalt  }
0x82: {  	_ =	shalt  }
0x83: {  	_ =	shalt  }
0x84: {  	_ =	shalt  }
0x85: {  	_ =	shalt  }
0x86: {  	_ =	shalt  }
0x87: {  	_ =	shalt  }
.Lfunc_end0:
.L_simem_size_0:
called_computation_lowered:
.L_overlay_start_0:
0x88: {  	s2 =	sld [smem:$0x3FD9]  }
0x89: {  	s3 =	sld [smem:$0x3FFE];
	_ =	sdelay $0x1  }
0x8a: {  	s1 =	srdreg.scid  }
0x8b: {  	s0 =	sand.u32 $0x1, s1  }
0x8c: {  	s14 =	sshll.u32 s0, $0xA;
	s2 =	sadd.s32 s3, s2  }
0x8d: {  	s2 =	sadd.s32 s2, s14  }
0x8e: {  	[smem:$0x3FC6] =	sst s2  }
0x8f: {  	_ = 	snop  }
0x90: {  	s2 =	sld [smem:$0x3FD0];
	_ =	sdelay $0x2  }
0x91: {  	s4 =	simm.s32 $0xA;
	s5 =	simm.s32 $0x10;
	s15 =	sld [smem:$0x3FC9]  }
0x92: {  	[smem:s5], [sflag:s4] =	dma.local [hbm:s2], $0x1  }
0x93: {  	_ =	swait.eq [sflag:s4], $0x1  }
0x94: {  	s16 =	sld [smem:$0x10]  }
0x95: {  	s17 =	sld [smem:$0x11];
	[sflag:s4] =	ssyncset.done $0x0  }
0x96: {  	s6 =	sld [smem:$0x12];
	[sflag:s4] =	ssyncadd.s32 $0xFFFFFFFF  }
0x97: {  	s18 =	sld [smem:$0x13];
	(tm) =	ssettm $0x1  }
0x98: {  	s7 =	sld [smem:$0x3FFB];
	_ =	sdelay $0x3  }
0x99: {  	_ =	strace s7  }
0x9a: {  	s7 =	sld [smem:$0x3FFC];
	_ =	sdelay $0x3  }
0x9b: {  	_ =	strace s7  }
0x9c: {  	s7 =	sld [smem:$0x3FFD];
	_ =	sdelay $0x3  }
0x9d: {  	_ =	strace s7  }
0x9e: {  	_ =	strace $0x8FFFFFFF  }
0x9f: {  	s19 =	sld [smem:$0x3FDB];
	_ =	sdelay $0x1  }
0xa0: {  	s8 =	simm.s32 $_scs_section_size  }
0xa1: {  	s9 =	simm.s32 $_size__tile_overlayer_lowered;
	s10 =	simm.s32 $_tile_overlayer_lowered  }
0xa2: {  	s22 =	simm.s32 $0x1BFF;
	s21 =	sshll.u32 s10, $0x1;
	s7 =	sadd.s32 s8, s19  }
0xa3: {  	s11 =	simm.s32 $0x0;
	s20 =	sshll.u32 s9, $0x1;
	s9 =	sadd.s32 s21, s7  }
0xa4: {  	[timem:s11], [sflag:s22] =	dma.local [hbm:s9], s20  }
0xa5: {  	_ =	swait.ge [sflag:s22], s20  }
0xa6: {  	s8 =	ssub.s32 $0x0, s20;
	[sflag:s22] =	ssyncset.done $0x0  }
0xa7: {  	[sflag:s22] =	ssyncadd.s32 s8;
	_ =	sdelay $0x1  }
0xa8: {  	s23 =	simm.s32 $0x1B8B  }
0xa9: {  	_ =	swait.ge [sflag:s23], $0x1  }
0xaa: {  	[sflag:s23] =	ssyncset.done $0x0  }
0xab: {  	s25 =	simm.s32 $0x1B8E;
	s24 =	sld [smem:$0x3FFE];
	[sflag:s23] =	ssyncadd.s32 $0xFFFFFFFF  }
0xac: {  	s26 =	simm.s32 $execute0_lowered;
	[smem:$0x3FD2] =	sst s25  }
0xad: {  	s9 =	sshll.u32 s26, $0x1;
	_ =	strace $0x80000046;
	[dreg:$0x1] =	wrdreg $0xFFFFFFFF  }
0xae: {  	s28 =	simm.s32 $_size_execute0_lowered;
	s7 =	sadd.s32 s7, s9;
	[dreg:$0x0] =	wrdreg $0x0  }
0xaf: {  	s9 =	sshll.u32 s28, $0x1;
	[dreg:$0x2] =	wrdreg s7  }
0xb0: {  	[dreg:$0x3] =	wrdreg s9  }
0xb1: {  	[dreg:$0x4] =	wrdreg $0xC0  }
0xb2: {  	_ =	task [dreg:s11], $0x5FFFF  }
0xb3: {  	[dreg:$0x1] =	wrdreg $0xFFFFFFFF  }
0xb4: {  	[dreg:$0x0] =	wrdreg $0x60  }
0xb5: {  	[dreg:$0x2] =	wrdreg s6  }
0xb6: {  	[dreg:$0x3] =	wrdreg s18  }
0xb7: {  	[dreg:$0x4] =	wrdreg s24  }
0xb8: {  	[dreg:$0x5] =	wrdreg s15  }
0xb9: {  	[dreg:$0x6] =	wrdreg s16  }
0xba: {  	[dreg:$0x7] =	wrdreg s17  }
0xbb: {  	[dreg:$0x8] =	wrdreg $0x9  }
0xbc: {  	_ =	task.clear_ibuf [dreg:s11], $0x9FFFF;
	_ =	strace $0x90000046  }
0xbd: {  	s29 =	simm.s32 $0x9;
	_ =	strace $0x80000048  }
0xbe: {  	_ =	swait.ge [sflag:s29], $0x1  }
0xbf: {  	[sflag:s29] =	ssyncadd.s32 $0xFFFFFFFF  }
0xc0: {  	_ =	strace $0x90000048  }
0xc1: {  	_ =	sfence  }
0xc2: {  	s30 =	sld [smem:$0x0];
	_ =	sdelay $0x2  }
0xc3: {  	s31 =	sshll.u32 s1, $0xD;
	s1 =	sshrl.u32 s1, $0x2  }
0xc4: {  	s3 =	sand.u32 $0x4000, s31;
	s1 =	sadd.s32 s1, s30  }
0xc5: {  	s0 =	sor.u32 s3, s0;
	s1 =	sshll.u32 s1, $0x11  }
0xc6: {  	s0 =	sor.u32 s1, s0  }
0xc7: {  	s0 =	sadd.s32 $0x8F2B, s0  }
0xc8: {  	[sflag:s0] =	ssyncadd.remote.s32 $0x1  }
0xc9: {  	_ =	sfence.sel $0xFFFF  }
0xca: {  	[dreg:$0x0] =	wrdreg $0xFFFFFFFF;
	(pc) =	sbr.abs _section_cstart, $3  }
0xcb: {  	[dreg:$0x1] =	wrdreg $0xFFFFFFFF  }
0xcc: {  	_ =	task.clear_ibuf [dreg:s11], $0x2FFFF;
	_ =	strace $0x9FFFFFFF  }
0xcd: {  	(tm) =	ssettm $0x7FFFFFFF  }
tec
execute0_lowered:
.L_overlay_start_1:
0x0: {  	(tag) =	ssettag $0x1  }
0x1: {  	s16 =	rddreg [dreg:$0x0]  }
0x2: {  	s19 =	rddreg [dreg:$0x1]  }
0x3: {  	s4 =	rddreg [dreg:$0x2]  }
0x4: {  	s2 =	rddreg [dreg:$0x3]  }
0x5: {  	s17 =	rddreg [dreg:$0x4];
	s3 =	srdreg.scid  }
0x6: {  	s18 =	rddreg [dreg:$0x5];
	s1 =	stileid.u32;
	s20 =	sand.u32 $0x1, s3  }
0x7: {  	s0 =	rddreg [dreg:$0x6];
	s5 =	sshll.u32 s1, $0x2;
	s6 =	sshll.u32 s20, $0x1  }
0x8: {  	s3 =	simm.s32 $0x0;
	s15 =	sadd.s32 $0x600, s4;
	s14 =	sor.u32 s6, s5  }
0x9: {  	s4 =	simm.s32 $0x2;
	[smem:$0x7FF] =	sst s3;
	s13 =	sshll.u32 s14, $0x4  }
0xa: {  	_ =	strace $0x80000047;
	s6 =	simm.s32 $0x100;
	s5 =	sadd.s32 s15, s13  }
0xb: {  	[tilespmem:s6], [sflag:$0x2] =	stream.linear.gather [hbm4b:s5+s3], $0x80, $0x38;
	[tilespmem:$0x2180] =	vst v63  }
0xc: {  	_ =	swait.ge [sflag:s4], $0x80  }
0xd: {  	[sflag:s4] =	ssyncset.done $0x0  }
0xe: {  	s7 =	sadd.s32 s16, s13;
	[sflag:s4] =	ssyncadd.s32 $0xFFFFFF80  }
0xf: {  	v0 =	vld [tilespmem:$0x100];
	[tilespmem:s3], [sflag:$0x2] =	stream.linear.gather [hbm4b:s7+s3], $0x80, $0x38  }
0x10: {  	_ =	swait.ge [sflag:s4], $0x80  }
0x11: {  	[sflag:s4] =	ssyncset.done $0x0  }
0x12: {  	[sflag:s4] =	ssyncadd.s32 $0xFFFFFF80  }
0x13: {  	v1 =	vld [tilespmem:$0x30]  }
0x14: {  	v2 =	vld [tilespmem:$0x20]  }
0x15: {  	v3 =	vld [tilespmem:$0x0]  }
0x16: {  	v4 =	vld [tilespmem:$0x10];
	_ =	sdelay $0x1  }
0x17: {  	v1 =	vadd.s32 v0, v1  }
0x18: {  	v2 =	vadd.s32 v0, v2;
	[tilespmem:$0xB0] =	vst v1  }
0x19: {  	v1 =	vadd.s32 v0, v3;
	[tilespmem:$0xA0] =	vst v2  }
0x1a: {  	s8 =	simm.s32 $0x40;
	[tilespmem:$0x80] =	vst v1;
	v1 =	vadd.s32 v0, v4  }
0x1b: {  	s11 =	simm.s32 $0x80;
	s9 =	simm.s32 $0x180;
	s10 =	simm.s32 $0x1;
	[tilespmem:$0x90] =	vst v1  }
0x1c: {  	[tilespmem:s9], [sflag:$0x1] =	stream.indirect.gather [hbm4b:s2+s8], $0x80, s11, s8, $0xb8;
	[tilespmem:$0x2180] =	vst v63  }
0x1d: {  	_ =	swait.ge [sflag:s10], $0x2000  }
0x1e: {  	s21 =	sshll.u32 s14, $0xA;
	[sflag:s10] =	ssyncset.done $0x0  }
0x1f: {  	s12 =	sadd.s32 s17, s21;
	[sflag:s10] =	ssyncadd.s32 $0xFFFFE000  }
0x20: {  	[hbm4b:s12+s3] =	stream.linear.scatter [tilespmem:s9], [sflag:$0x2], $0x2000, $0x38;
	[tilespmem:$0x2180] =	vst v63  }
0x21: {  	_ =	swait.ge [sflag:s4], $0x2000  }
0x22: {  	[sflag:s4] =	ssyncset.done $0x0  }
0x23: {  	s13 =	sadd.s32 s19, s13;
	[sflag:s4] =	ssyncadd.s32 $0xFFFFE000  }
0x24: {  	[tilespmem:s3], [sflag:$0x2] =	stream.linear.gather [hbm4b:s13+s3], $0x80, $0x38;
	[tilespmem:$0x2180] =	vst v63  }
0x25: {  	_ =	swait.ge [sflag:s4], $0x80  }
0x26: {  	[sflag:s4] =	ssyncset.done $0x0  }
0x27: {  	[sflag:s4] =	ssyncadd.s32 $0xFFFFFF80  }
0x28: {  	v1 =	vld [tilespmem:$0x0]  }
0x29: {  	v2 =	vld [tilespmem:$0x10]  }
0x2a: {  	v3 =	vld [tilespmem:$0x20]  }
0x2b: {  	v62 =	vld [tilespmem:$0x30];
	_ =	sdelay $0x1  }
0x2c: {  	v1 =	vadd.s32 v0, v1  }
0x2d: {  	[tilespmem:$0x80] =	vst v1;
	v1 =	vadd.s32 v0, v2  }
0x2e: {  	[tilespmem:$0x90] =	vst v1;
	v1 =	vadd.s32 v0, v3  }
0x2f: {  	v0 =	vadd.s32 v0, v62;
	[tilespmem:$0xA0] =	vst v1  }
0x30: {  	[tilespmem:$0xB0] =	vst v0  }
0x31: {  	[tilespmem:s9], [sflag:$0x1] =	stream.indirect.gather [hbm4b:s2+s8], $0x80, s11, s8, $0xb8;
	[tilespmem:$0x2180] =	vst v63  }
0x32: {  	_ =	swait.ge [sflag:s10], $0x2000  }
0x33: {  	s22 =	sshll.u32 s1, $0x6;
	s23 =	sor.u32 $0x1, s14;
	[sflag:s10] =	ssyncset.done $0x0  }
0x34: {  	s14 =	sadd.s32 s18, s21;
	s29 =	sshll.u32 s23, $0x4;
	[sflag:s10] =	ssyncadd.s32 $0xFFFFE000  }
0x35: {  	[hbm4b:s14+s3] =	stream.linear.scatter [tilespmem:s9], [sflag:$0x2], $0x2000, $0x38;
	[tilespmem:$0x2180] =	vst v63  }
0x36: {  	s22 =	sand.u32 $0x380, s22;
	s21 =	sand.u32 $0x70, s29;
	_ =	swait.ge [sflag:s4], $0x2000  }
0x37: {  	s21 =	sor.u32 s22, s21;
	[sflag:s4] =	ssyncset.done $0x0  }
0x38: {  	s15 =	sadd.s32 s15, s21;
	[sflag:s4] =	ssyncadd.s32 $0xFFFFE000  }
0x39: {  	[tilespmem:s6], [sflag:$0x2] =	stream.linear.gather [hbm4b:s15+s3], $0x80, $0x38;
	[tilespmem:$0x2180] =	vst v63  }
0x3a: {  	_ =	swait.ge [sflag:s4], $0x80  }
0x3b: {  	[sflag:s4] =	ssyncset.done $0x0  }
0x3c: {  	s16 =	sadd.s32 s16, s21;
	[sflag:s4] =	ssyncadd.s32 $0xFFFFFF80  }
0x3d: {  	v0 =	vld [tilespmem:$0x100];
	[tilespmem:s3], [sflag:$0x2] =	stream.linear.gather [hbm4b:s16+s3], $0x80, $0x38  }
0x3e: {  	_ =	swait.ge [sflag:s4], $0x80  }
0x3f: {  	[sflag:s4] =	ssyncset.done $0x0  }
0x40: {  	[sflag:s4] =	ssyncadd.s32 $0xFFFFFF80  }
0x41: {  	v1 =	vld [tilespmem:$0x0]  }
0x42: {  	v2 =	vld [tilespmem:$0x10]  }
0x43: {  	v3 =	vld [tilespmem:$0x20]  }
0x44: {  	v63 =	vld [tilespmem:$0x30];
	_ =	sdelay $0x1  }
0x45: {  	v1 =	vadd.s32 v0, v1  }
0x46: {  	[tilespmem:$0x80] =	vst v1;
	v1 =	vadd.s32 v0, v2  }
0x47: {  	[tilespmem:$0x90] =	vst v1;
	v1 =	vadd.s32 v0, v3  }
0x48: {  	[tilespmem:$0xA0] =	vst v1;
	v1 =	vadd.s32 v0, v63  }
0x49: {  	[tilespmem:$0xB0] =	vst v1  }
0x4a: {  	[tilespmem:s9], [sflag:$0x1] =	stream.indirect.gather [hbm4b:s2+s8], $0x80, s11, s8, $0xb8;
	[tilespmem:$0x2180] =	vst v63  }
0x4b: {  	_ =	swait.ge [sflag:s10], $0x2000  }
0x4c: {  	s20 =	ssub.s32 $0x2, s20;
	s30 =	sshll.u32 s23, $0xA;
	[sflag:s10] =	ssyncset.done $0x0  }
0x4d: {  	s31 =	sshrl.u32 s20, $0x1;
	s17 =	sadd.s32 s17, s30;
	[sflag:s10] =	ssyncadd.s32 $0xFFFFE000  }
0x4e: {  	[hbm4b:s17+s3] =	stream.linear.scatter [tilespmem:s9], [sflag:$0x2], $0x2000, $0x38;
	[tilespmem:$0x2180] =	vst v63  }
0x4f: {  	s20 =	ssub.s32 s20, s31;
	_ =	swait.ge [sflag:s4], $0x2000  }
0x50: {  	s20 =	smax.u32 s20, $0x1;
	[sflag:s4] =	ssyncset.done $0x0  }
0x51: {  	p0 =	sne.s32 s20, $0x1;
	s19 =	sadd.s32 s19, s21;
	[sflag:s4] =	ssyncadd.s32 $0xFFFFE000  }
0x52: {  	[tilespmem:s3], [sflag:$0x2] =	stream.linear.gather [hbm4b:s19+s3], $0x80, $0x38;
	[tilespmem:$0x2180] =	vst v63  }
.Ltmp0:
0x53: {  	_ =	swait.ge [sflag:s4], $0x80;
	(pc) =	sbr.rel @!p0 .LBB2_2-.Ltmp0, $4  }
0x54: {  	[sflag:s4] =	ssyncset.done $0x0  }
0x55: {  	[sflag:s4] =	ssyncadd.s32 $0xFFFFFF80  }
0x56: {  	v1 =	vld [tilespmem:$0x0]  }
0x57: {  	s18 =	sadd.s32 s18, s30;
	s20 =	sadd.s32 $0xFFFFFFFF, s20;
	v2 =	vld [tilespmem:$0x10]  }
.LBB2_1:
0x58: {  	p0 =	sne.s32 s20, $0x1;
	s20 =	sadd.s32 $0xFFFFFFFF, s20;
	v3 =	vld [tilespmem:$0x20]  }
0x59: {  	v4 =	vld [tilespmem:$0x30];
	_ =	sdelay $0x1  }
0x5a: {  	v1 =	vadd.s32 v0, v1  }
0x5b: {  	[tilespmem:$0x80] =	vst v1;
	v1 =	vadd.s32 v0, v2  }
0x5c: {  	[tilespmem:$0x90] =	vst v1;
	v1 =	vadd.s32 v0, v3  }
0x5d: {  	[tilespmem:$0xA0] =	vst v1;
	v0 =	vadd.s32 v0, v4  }
0x5e: {  	[tilespmem:$0xB0] =	vst v0  }
0x5f: {  	[tilespmem:s9], [sflag:$0x1] =	stream.indirect.gather [hbm4b:s2+s8], $0x80, s11, s8, $0xb8;
	[tilespmem:$0x2180] =	vst v63  }
0x60: {  	_ =	swait.ge [sflag:s10], $0x2000  }
0x61: {  	[sflag:s10] =	ssyncset.done $0x0  }
0x62: {  	[sflag:s10] =	ssyncadd.s32 $0xFFFFE000  }
0x63: {  	[hbm4b:s18+s3] =	stream.linear.scatter [tilespmem:s9], [sflag:$0x2], $0x2000, $0x38;
	[tilespmem:$0x2180] =	vst v63  }
0x64: {  	_ =	swait.ge [sflag:s4], $0x2000  }
0x65: {  	[sflag:s4] =	ssyncset.done $0x0  }
0x66: {  	[sflag:s4] =	ssyncadd.s32 $0xFFFFE000  }
0x67: {  	[tilespmem:s6], [sflag:$0x2] =	stream.linear.gather [hbm4b:s5+s3], $0x80, $0x38;
	[tilespmem:$0x2180] =	vst v63  }
0x68: {  	_ =	swait.ge [sflag:s4], $0x80  }
0x69: {  	[sflag:s4] =	ssyncset.done $0x0  }
0x6a: {  	[sflag:s4] =	ssyncadd.s32 $0xFFFFFF80  }
0x6b: {  	v0 =	vld [tilespmem:$0x100]  }
0x6c: {  	[tilespmem:s3], [sflag:$0x2] =	stream.linear.gather [hbm4b:s7+s3], $0x80, $0x38;
	[tilespmem:$0x2180] =	vst v63  }
0x6d: {  	_ =	swait.ge [sflag:s4], $0x80  }
0x6e: {  	[sflag:s4] =	ssyncset.done $0x0  }
0x6f: {  	[sflag:s4] =	ssyncadd.s32 $0xFFFFFF80  }
0x70: {  	v1 =	vld [tilespmem:$0x30]  }
0x71: {  	v2 =	vld [tilespmem:$0x20]  }
0x72: {  	v3 =	vld [tilespmem:$0x0]  }
0x73: {  	v4 =	vld [tilespmem:$0x10];
	_ =	sdelay $0x1  }
0x74: {  	v1 =	vadd.s32 v0, v1  }
0x75: {  	v2 =	vadd.s32 v0, v2;
	[tilespmem:$0xB0] =	vst v1  }
0x76: {  	v1 =	vadd.s32 v0, v3;
	[tilespmem:$0xA0] =	vst v2  }
0x77: {  	[tilespmem:$0x80] =	vst v1;
	v1 =	vadd.s32 v0, v4  }
0x78: {  	[tilespmem:$0x90] =	vst v1  }
0x79: {  	[tilespmem:s9], [sflag:$0x1] =	stream.indirect.gather [hbm4b:s2+s8], $0x80, s11, s8, $0xb8;
	[tilespmem:$0x2180] =	vst v63  }
0x7a: {  	_ =	swait.ge [sflag:s10], $0x2000  }
0x7b: {  	[sflag:s10] =	ssyncset.done $0x0  }
0x7c: {  	[sflag:s10] =	ssyncadd.s32 $0xFFFFE000  }
0x7d: {  	[hbm4b:s12+s3] =	stream.linear.scatter [tilespmem:s9], [sflag:$0x2], $0x2000, $0x38;
	[tilespmem:$0x2180] =	vst v63  }
0x7e: {  	_ =	swait.ge [sflag:s4], $0x2000  }
0x7f: {  	[sflag:s4] =	ssyncset.done $0x0  }
0x80: {  	[sflag:s4] =	ssyncadd.s32 $0xFFFFE000  }
0x81: {  	[tilespmem:s3], [sflag:$0x2] =	stream.linear.gather [hbm4b:s13+s3], $0x80, $0x38;
	[tilespmem:$0x2180] =	vst v63  }
0x82: {  	_ =	swait.ge [sflag:s4], $0x80  }
0x83: {  	[sflag:s4] =	ssyncset.done $0x0  }
0x84: {  	[sflag:s4] =	ssyncadd.s32 $0xFFFFFF80  }
0x85: {  	v1 =	vld [tilespmem:$0x0]  }
0x86: {  	v2 =	vld [tilespmem:$0x10]  }
0x87: {  	v3 =	vld [tilespmem:$0x20]  }
0x88: {  	v4 =	vld [tilespmem:$0x30];
	_ =	sdelay $0x1  }
0x89: {  	v1 =	vadd.s32 v0, v1  }
0x8a: {  	[tilespmem:$0x80] =	vst v1;
	v1 =	vadd.s32 v0, v2  }
0x8b: {  	[tilespmem:$0x90] =	vst v1;
	v1 =	vadd.s32 v0, v3  }
0x8c: {  	[tilespmem:$0xA0] =	vst v1;
	v0 =	vadd.s32 v0, v4  }
0x8d: {  	[tilespmem:$0xB0] =	vst v0  }
0x8e: {  	[tilespmem:s9], [sflag:$0x1] =	stream.indirect.gather [hbm4b:s2+s8], $0x80, s11, s8, $0xb8;
	[tilespmem:$0x2180] =	vst v63  }
0x8f: {  	_ =	swait.ge [sflag:s10], $0x2000  }
0x90: {  	[sflag:s10] =	ssyncset.done $0x0  }
0x91: {  	[sflag:s10] =	ssyncadd.s32 $0xFFFFE000  }
0x92: {  	[hbm4b:s14+s3] =	stream.linear.scatter [tilespmem:s9], [sflag:$0x2], $0x2000, $0x38;
	[tilespmem:$0x2180] =	vst v63  }
0x93: {  	_ =	swait.ge [sflag:s4], $0x2000  }
0x94: {  	[sflag:s4] =	ssyncset.done $0x0  }
0x95: {  	[sflag:s4] =	ssyncadd.s32 $0xFFFFE000  }
0x96: {  	[tilespmem:s6], [sflag:$0x2] =	stream.linear.gather [hbm4b:s15+s3], $0x80, $0x38;
	[tilespmem:$0x2180] =	vst v63  }
0x97: {  	_ =	swait.ge [sflag:s4], $0x80  }
0x98: {  	[sflag:s4] =	ssyncset.done $0x0  }
0x99: {  	[sflag:s4] =	ssyncadd.s32 $0xFFFFFF80  }
0x9a: {  	v0 =	vld [tilespmem:$0x100]  }
0x9b: {  	[tilespmem:s3], [sflag:$0x2] =	stream.linear.gather [hbm4b:s16+s3], $0x80, $0x38;
	[tilespmem:$0x2180] =	vst v63  }
0x9c: {  	_ =	swait.ge [sflag:s4], $0x80  }
0x9d: {  	[sflag:s4] =	ssyncset.done $0x0  }
0x9e: {  	[sflag:s4] =	ssyncadd.s32 $0xFFFFFF80  }
0x9f: {  	v1 =	vld [tilespmem:$0x0]  }
0xa0: {  	v2 =	vld [tilespmem:$0x10]  }
0xa1: {  	v3 =	vld [tilespmem:$0x20]  }
0xa2: {  	v4 =	vld [tilespmem:$0x30];
	_ =	sdelay $0x1  }
0xa3: {  	v1 =	vadd.s32 v0, v1  }
0xa4: {  	[tilespmem:$0x80] =	vst v1;
	v1 =	vadd.s32 v0, v2  }
0xa5: {  	[tilespmem:$0x90] =	vst v1;
	v1 =	vadd.s32 v0, v3  }
0xa6: {  	[tilespmem:$0xA0] =	vst v1;
	v1 =	vadd.s32 v0, v4  }
0xa7: {  	[tilespmem:$0xB0] =	vst v1  }
0xa8: {  	[tilespmem:s9], [sflag:$0x1] =	stream.indirect.gather [hbm4b:s2+s8], $0x80, s11, s8, $0xb8;
	[tilespmem:$0x2180] =	vst v63  }
0xa9: {  	_ =	swait.ge [sflag:s10], $0x2000  }
0xaa: {  	[sflag:s10] =	ssyncset.done $0x0  }
0xab: {  	[sflag:s10] =	ssyncadd.s32 $0xFFFFE000  }
0xac: {  	[hbm4b:s17+s3] =	stream.linear.scatter [tilespmem:s9], [sflag:$0x2], $0x2000, $0x38;
	[tilespmem:$0x2180] =	vst v63  }
0xad: {  	_ =	swait.ge [sflag:s4], $0x2000  }
0xae: {  	[sflag:s4] =	ssyncset.done $0x0  }
0xaf: {  	[sflag:s4] =	ssyncadd.s32 $0xFFFFE000  }
0xb0: {  	[tilespmem:s3], [sflag:$0x2] =	stream.linear.gather [hbm4b:s19+s3], $0x80, $0x38;
	[tilespmem:$0x2180] =	vst v63  }
.Ltmp1:
0xb1: {  	_ =	swait.ge [sflag:s4], $0x80;
	(pc) =	sbr.rel @p0 .LBB2_1-.Ltmp1, $4  }
0xb2: {  	[sflag:s4] =	ssyncset.done $0x0  }
0xb3: {  	[sflag:s4] =	ssyncadd.s32 $0xFFFFFF80  }
0xb4: {  	v1 =	vld [tilespmem:$0x0]  }
0xb5: {  	v2 =	vld [tilespmem:$0x10]  }
.LBB2_2:
0xb6: {  	v3 =	vld [tilespmem:$0x20]  }
0xb7: {  	v4 =	vld [tilespmem:$0x30];
	_ =	sdelay $0x1  }
0xb8: {  	v1 =	vadd.s32 v0, v1  }
0xb9: {  	[tilespmem:$0x80] =	vst v1;
	v61 =	vadd.s32 v0, v2  }
0xba: {  	[tilespmem:$0x90] =	vst v61;
	v62 =	vadd.s32 v0, v3  }
0xbb: {  	v63 =	vadd.s32 v0, v4;
	[tilespmem:$0xA0] =	vst v62  }
0xbc: {  	[tilespmem:$0xB0] =	vst v63  }
0xbd: {  	[tilespmem:s9], [sflag:$0x1] =	stream.indirect.gather [hbm4b:s2+s8], $0x80, s11, s8, $0xb8;
	[tilespmem:$0x2180] =	vst v63  }
0xbe: {  	_ =	swait.ge [sflag:s10], $0x2000  }
0xbf: {  	[sflag:s10] =	ssyncset.done $0x0  }
0xc0: {  	[sflag:s10] =	ssyncadd.s32 $0xFFFFE000  }
0xc1: {  	[hbm4b:s18+s3] =	stream.linear.scatter [tilespmem:s9], [sflag:$0x2], $0x2000, $0x38;
	[tilespmem:$0x2180] =	vst v63  }
0xc2: {  	_ =	swait.ge [sflag:s4], $0x2000  }
0xc3: {  	[sflag:s4] =	ssyncset.done $0x0  }
0xc4: {  	[sflag:s4] =	ssyncadd.s32 $0xFFFFE000  }
0xc5: {  	_ =	sfence.sel $0x180000  }
0xc6: {  	[bflag:$0x0] =	sbarrier.arrive $0xFFFF  }
0xc7: {  	p0 =	sne.s32 s1, $0x0;
	_ =	strace $0x90000047  }
0xc8: {  	s0 =	sadd.s32 @!p0 $0x100000, s0;
	[bflag:$0x2] =	sbarrier.arrive $0xFFFF  }
0xc9: {  	[sflag:s0] =	ssyncadd.tile.s32 @!p0 $0x1;
	_ =	shalt  }
.Lfunc_end2:
_tile_overlayer_lowered:
.L_overlay_start_2:
0xca: {  	(tag) =	ssettag $0x2  }
0xcb: {  	s0 =	rddreg [dreg:$0x0];
	s2 =	stileid.u32  }
0xcc: {  	s1 =	rddreg [dreg:$0x1];
	p0 =	sne.s32 s2, $0x0  }
0xcd: {  	s3 =	rddreg [dreg:$0x2];
	[bflag:$0x3] =	sbarrier.arrive $0xFFFF;
	s2 =	simm.s32 @!p0 $0x1C02  }
0xce: {  	[timem:s3], [sflag:s2] =	dma.local @!p0 [hbm:s0], s1  }
0xcf: {  	s0 =	simm.s32 @!p0 $0x2  }
0xd0: {  	_ =	swait.ge @!p0 [sflag:s0], s1  }
0xd1: {  	s1 =	ssub.s32 @!p0 $0x0, s1;
	[sflag:s0] =	ssyncset.done @!p0 $0x0  }
0xd2: {  	[sflag:s0] =	ssyncadd.s32 @!p0 s1  }
0xd3: {  	[bflag:$0x3] =	sbarrier.arrive $0xFFFF  }
0xd4: {  	_ =	shalt  }

</sc_bundles>
